<compile_context>
chip_gen: v7x
topology: tpu7x:2x2x1
jax: 0.10.2.dev20260603
libtpu: 0.0.44.dev20260713+nightly
codegen_flags: <defaults>
</compile_context>

<pallas_src>
import functools

import jax
import jax.numpy as jnp
from jax import lax
from jax.experimental import pallas as pl
from jax.experimental.pallas import tpu as pltpu
from jax.experimental.pallas import tpu_sc as plsc

N_CAMS = 6
FH, FW, FC = 64, 176, 256
STRIDE = 4.0
N_PTS = 200 * 200 * 4
ROWS_PER_CAM = FH * FW
ZERO_ROW = N_CAMS * ROWS_PER_CAM
NQ = 200 * 200
COUT = 80
CPAD = 128
ROWS_PLANE = ZERO_ROW + 512



def _index_kernel(pm_ref, vg_ref, idx_ref):
    pts = jnp.concatenate(
        [vg_ref[...], jnp.ones((1, N_PTS), jnp.float32)], axis=0)
    t = lax.dot_general(pm_ref[...], pts, (((1,), (0,)), ((), ())))
    idxf = jnp.full((1, N_PTS), float(ZERO_ROW), jnp.float32)
    for c in range(N_CAMS):
        zu = t[3 * c:3 * c + 1, :]
        zv = t[3 * c + 1:3 * c + 2, :]
        zz = t[3 * c + 2:3 * c + 3, :]
        u = jnp.round((zu / zz) / STRIDE)
        v = jnp.round((zv / zz) / STRIDE)
        valid = ((u >= 0.0) & (v >= 0.0) & (u < float(FW)) & (v < float(FH))
                 & (zz > 0.0))
        rowf = float(c * ROWS_PER_CAM) + float(FW) * v + u
        idxf = jnp.where(valid, rowf, idxf)
    zpat = jax.lax.broadcasted_iota(jnp.int32, (1, N_PTS), 1) & 3
    idx_ref[...] = idxf.astype(jnp.int32) + zpat * ROWS_PLANE


def _compute_indices(proj_flat, vg2):
    return pl.pallas_call(
        _index_kernel,
        grid=(1,),
        in_specs=[
            pl.BlockSpec((18, 4), lambda i: (0, 0)),
            pl.BlockSpec((3, N_PTS), lambda i: (0, 0)),
        ],
        out_specs=pl.BlockSpec((1, N_PTS), lambda i: (0, 0)),
        out_shape=jax.ShapeDtypeStruct((1, N_PTS), jnp.int32),
    )(proj_flat, vg2)



_TW = 512


def _table_mm_kernel(t_ref, w_ref, o_ref):
    o_ref[0] = lax.dot_general(t_ref[...], w_ref[0],
                               (((1,), (0,)), ((), ())),
                               preferred_element_type=jnp.float32)


def _conv_table(table, wz):
    return pl.pallas_call(
        _table_mm_kernel,
        grid=(4, ROWS_PLANE // _TW),
        in_specs=[
            pl.BlockSpec((_TW, FC), lambda z, i: (i, 0)),
            pl.BlockSpec((1, FC, CPAD), lambda z, i: (z, 0, 0)),
        ],
        out_specs=pl.BlockSpec((1, _TW, CPAD), lambda z, i: (z, i, 0)),
        out_shape=jax.ShapeDtypeStruct((4, ROWS_PLANE, CPAD), jnp.float32),
    )(table, wz)



_CHUNK = 128
_CHUNKS_PER_W = 40
_NBUF = 4
_ROWS_PER_W = _CHUNK * _CHUNKS_PER_W
_N_PAD = 32 * _ROWS_PER_W


def _make_gather(n_table_rows):
    mesh = plsc.VectorSubcoreMesh(core_axis_name="c", subcore_axis_name="s")

    @functools.partial(
        pl.kernel,
        mesh=mesh,
        out_type=jax.ShapeDtypeStruct((_N_PAD, CPAD), jnp.float32),
        scratch_types=[
            pltpu.VMEM((_CHUNKS_PER_W, _CHUNK), jnp.int32),
            pltpu.VMEM((_NBUF, _CHUNK, CPAD), jnp.float32),
        ] + [pltpu.SemaphoreType.DMA] * (2 * _NBUF),
    )
    def gather_k(idx_hbm, table_hbm, out_hbm, idx_v, rows_v, *sems):
        gsems = sems[:_NBUF]
        wsems = sems[_NBUF:]
        nc = 2
        wid = lax.axis_index("s") * nc + lax.axis_index("c")
        base = wid * _ROWS_PER_W
        pltpu.sync_copy(idx_hbm.at[pl.ds(wid * _CHUNKS_PER_W, _CHUNKS_PER_W)],
                        idx_v)

        def gather(j, b):
            return pltpu.make_async_copy(table_hbm.at[idx_v.at[j]],
                                         rows_v.at[b], gsems[b])

        def write(j, b):
            return pltpu.make_async_copy(
                rows_v.at[b], out_hbm.at[pl.ds(base + j * _CHUNK, _CHUNK)],
                wsems[b])

        for b in range(_NBUF):
            gather(b, b).start()

        def body(g, carry):
            for b in range(_NBUF):
                j = _NBUF * g + b
                gather(j, b).wait()
                write(j, b).start()
            for b in range(_NBUF):
                j = _NBUF * g + b
                jn = j + _NBUF

                @pl.when(jn < _CHUNKS_PER_W)
                def _(jn=jn, j=j, b=b):
                    write(j, b).wait()
                    gather(jn, b).start()

            return carry

        lax.fori_loop(0, _CHUNKS_PER_W // _NBUF, body, 0)
        for b in range(_NBUF):
            write(_CHUNKS_PER_W - _NBUF + b, b).wait()

    return gather_k



_TQ = 1000


def _sumz_kernel(v_ref, y_ref, s_ref):
    v = v_ref[...].reshape(_TQ, 4, CPAD)
    yb = jnp.sum(v, axis=1)
    y_ref[...] = yb
    ssum = jnp.sum(yb, axis=0, keepdims=True)
    ssq = jnp.sum(yb * yb, axis=0, keepdims=True)

    @pl.when(pl.program_id(0) == 0)
    def _():
        s_ref[...] = jnp.zeros_like(s_ref)

    s_ref[...] += jnp.concatenate([ssum, ssq], axis=0)


def _sum_planes(vol4):
    return pl.pallas_call(
        _sumz_kernel,
        grid=(NQ // _TQ,),
        in_specs=[pl.BlockSpec((4 * _TQ, CPAD), lambda i: (i, 0))],
        out_specs=[
            pl.BlockSpec((_TQ, CPAD), lambda i: (i, 0)),
            pl.BlockSpec((2, CPAD), lambda i: (0, 0)),
        ],
        out_shape=[
            jax.ShapeDtypeStruct((NQ, CPAD), jnp.float32),
            jax.ShapeDtypeStruct((2, CPAD), jnp.float32),
        ],
    )(vol4)




def _bn_kernel(y_ref, s_ref, g_ref, b_ref, o_ref):
    s = s_ref[...]
    inv_n = 1.0 / float(NQ)
    mean = s[0:1] * inv_n
    var = s[1:2] * inv_n - mean * mean
    scale = g_ref[...] * lax.rsqrt(var + 1e-5)
    shift = b_ref[...] - mean * scale
    o_ref[...] = jnp.maximum(y_ref[...] * scale + shift, 0.0)


def _bn_relu(y, s, gamma, beta):
    return pl.pallas_call(
        _bn_kernel,
        grid=(NQ // _TQ,),
        in_specs=[
            pl.BlockSpec((_TQ, CPAD), lambda i: (i, 0)),
            pl.BlockSpec((2, CPAD), lambda i: (0, 0)),
            pl.BlockSpec((1, CPAD), lambda i: (0, 0)),
            pl.BlockSpec((1, CPAD), lambda i: (0, 0)),
        ],
        out_specs=pl.BlockSpec((_TQ, CPAD), lambda i: (i, 0)),
        out_shape=jax.ShapeDtypeStruct((NQ, CPAD), jnp.float32),
    )(y, s, gamma, beta)




def kernel(img_features, lidar2image, img_aug_matrix, lidar_aug_matrix,
           point_clouds, camera2ego, lidar2ego, cam_intrinsic, cam_2_lidar,
           img_metas, voxel_grid, conv_w, conv_b, bn_gamma, bn_beta):
    del point_clouds, camera2ego, lidar2ego, cam_intrinsic, cam_2_lidar
    del img_metas, conv_b
    feats = img_features[0]
    proj = (img_aug_matrix[0] @ lidar2image[0] @ lidar_aug_matrix[0])[:, :3, :]
    proj_flat = proj.reshape(18, 4)

    table = jnp.pad(jnp.transpose(feats, (0, 2, 3, 1)).reshape(ZERO_ROW, FC),
                    ((0, ROWS_PLANE - ZERO_ROW), (0, 0)))
    wz = jnp.pad(conv_w.reshape(COUT, 4, FC),
                 ((0, CPAD - COUT), (0, 0), (0, 0))).transpose(1, 2, 0)
    t4 = _conv_table(table, wz).reshape(4 * ROWS_PLANE, CPAD)

    vg2 = voxel_grid.reshape(3, N_PTS)
    idx = _compute_indices(proj_flat, vg2)
    idx2 = jnp.concatenate(
        [idx.reshape(N_PTS // _CHUNK, _CHUNK),
         jnp.full(((_N_PAD - N_PTS) // _CHUNK, _CHUNK), ZERO_ROW,
                  jnp.int32)], axis=0)

    vol = _make_gather(t4.shape[0])(idx2, t4)

    y, s = _sum_planes(vol[:N_PTS])
    gpad = jnp.pad(bn_gamma, (0, CPAD - COUT)).reshape(1, CPAD)
    bpad = jnp.pad(bn_beta, (0, CPAD - COUT)).reshape(1, CPAD)
    out = _bn_relu(y, s, gpad, bpad)
    return jnp.transpose(out)[:COUT].reshape(1, COUT, 200, 200)

# --- scband reference (transcript-rebuilt; emitter-appended) ---
"""Pipeline reference for scband-fast-bev-10488310137172 (READ-ONLY COPY).

The authoritative reference and input builder live on the scoring server;
editing this copy changes nothing except your own understanding.
"""

import math
import jax, jax.numpy as jnp
import numpy as np

IMAGE_SIZE = (256, 704)
VOXEL_SIZE = np.array([0.5, 0.5, 1.5], dtype=np.float32)
N_VOXELS = np.array([200, 200, 4], dtype=np.float32)


def get_voxel_grid():
    xs = jnp.arange(200, dtype=jnp.float32)
    ys = jnp.arange(200, dtype=jnp.float32)
    zs = jnp.arange(4, dtype=jnp.float32)
    grid = jnp.stack(jnp.meshgrid(xs, ys, zs, indexing='ij'))
    new_origin = jnp.asarray(np.array([0.0, 0.0, -1.0], dtype=np.float32) - N_VOXELS / 2.0 * VOXEL_SIZE)
    grid = grid * jnp.asarray(VOXEL_SIZE).reshape(3, 1, 1, 1) + new_origin.reshape(3, 1, 1, 1)
    return grid


def setup_inputs(seed: int = 0):
    key = jax.random.key(seed)
    ks = jax.random.split(key, 12)
    inp = {}
    inp['img_features'] = jax.random.normal(ks[0], (1, 6, 256, 64, 176), jnp.float32)
    inp['lidar2image'] = jax.random.normal(ks[1], (1, 6, 4, 4), jnp.float32)
    inp['img_aug_matrix'] = jax.random.normal(ks[2], (1, 6, 4, 4), jnp.float32)
    inp['lidar_aug_matrix'] = jax.random.normal(ks[3], (1, 4, 4), jnp.float32)
    inp['point_clouds'] = jax.random.normal(ks[4], (1, 30000, 5), jnp.float32)
    inp['camera2ego'] = jax.random.normal(ks[5], (1, 6, 4, 4), jnp.float32)
    inp['lidar2ego'] = jax.random.normal(ks[6], (1, 4, 4), jnp.float32)
    inp['cam_intrinsic'] = jax.random.normal(ks[7], (1, 6, 4, 4), jnp.float32)
    inp['cam_2_lidar'] = jax.random.normal(ks[8], (1, 6, 4, 4), jnp.float32)
    inp['img_metas'] = jnp.zeros((1,), jnp.int32)
    inp['voxel_grid'] = get_voxel_grid()
    inp['conv_w'] = jax.random.normal(ks[9], (80, 1024, 1, 1), jnp.float32) * 0.02
    inp['conv_b'] = jnp.zeros((80,), jnp.float32)
    inp['bn_gamma'] = jnp.ones((80,), jnp.float32)
    inp['bn_beta'] = jnp.zeros((80,), jnp.float32)
    return inp


def backproject_inplace(features, voxel_grid, projection, stride):
    n_images, n_channels, height, width = features.shape
    n_x, n_y, n_z = voxel_grid.shape[-3:]
    pts = voxel_grid.reshape(1, 3, -1)
    n_pts = pts.shape[-1]
    pts = jnp.broadcast_to(pts, (n_images, 3, n_pts))
    pts = jnp.concatenate([pts, jnp.ones_like(pts[:, :1])], axis=1)
    points_to_img = jnp.einsum('nij,njk->nik', projection, pts)
    Zu = points_to_img[:, 0]
    Zv = points_to_img[:, 1]
    Z = points_to_img[:, 2]
    u_img = Zu / Z
    v_img = Zv / Z
    u_fm = jnp.round(u_img / stride).astype(jnp.int32)
    v_fm = jnp.round(v_img / stride).astype(jnp.int32)
    valid = (u_fm >= 0) & (v_fm >= 0) & (u_fm < width) & (v_fm < height) & (Z > 0)
    volume = jnp.zeros((n_channels, n_pts), dtype=features.dtype)
    for i in range(n_images):
        uc = jnp.clip(u_fm[i], 0, width - 1)
        vc = jnp.clip(v_fm[i], 0, height - 1)
        gathered = features[i][:, vc, uc]
        volume = jnp.where(valid[i][None, :], gathered, volume)
    return volume.reshape(n_channels, n_x, n_y, n_z)


def reference(img_features, lidar2image, img_aug_matrix, lidar_aug_matrix, point_clouds, camera2ego, lidar2ego, cam_intrinsic, cam_2_lidar, img_metas, voxel_grid, conv_w, conv_b, bn_gamma, bn_beta):
    stride_i = math.ceil(IMAGE_SIZE[-1] / img_features.shape[-1])
    volumes = []
    for i in range(img_features.shape[0]):
        feat_i = img_features[i]
        projection = (img_aug_matrix[i] @ lidar2image[i] @ lidar_aug_matrix[i])[:, :3, :]
        volumes.append(backproject_inplace(feat_i, voxel_grid, projection, stride_i))
    volume_list = jnp.stack(volumes)
    n_z = volume_list.shape[4]
    final_1 = jnp.concatenate([volume_list[..., z] for z in range(n_z)], axis=1)
    y = jnp.einsum('bchw,oc->bohw', final_1, conv_w.reshape(conv_w.shape[0], conv_w.shape[1])) + conv_b.reshape(1, -1, 1, 1)
    mean = y.mean(axis=(0, 2, 3), keepdims=True)
    var = y.var(axis=(0, 2, 3), keepdims=True)
    y = (y - mean) / jnp.sqrt(var + 1e-5) * bn_gamma.reshape(1, -1, 1, 1) + bn_beta.reshape(1, -1, 1, 1)
    return jnp.maximum(y, 0.0)

if __name__ == "__main__":
    import jax
    _d = setup_inputs()
    print(jax.jit(kernel)(*tuple(_d.values())))

</pallas_src>

<mosaic_0001>
#map = affine_map<(d0, d1) -> (0, 0)>
module attributes {stable_mosaic.version = 14 : i64} {
  func.func @gather_k(%arg0: i32, %arg1: i32, %arg2: memref<1280x128xi32, #tpu.memory_space<hbm>>, %arg3: memref<272384x128xf32, #tpu.memory_space<hbm>>, %arg4: memref<163840x128xf32, #tpu.memory_space<hbm>>, %arg5: memref<40x128xi32, #tpu.memory_space<vmem>>, %arg6: memref<4x128x128xf32, #tpu.memory_space<vmem>>, %arg7: memref<!tpu.dma_semaphore, #tpu.memory_space<semaphore_mem>>, %arg8: memref<!tpu.dma_semaphore, #tpu.memory_space<semaphore_mem>>, %arg9: memref<!tpu.dma_semaphore, #tpu.memory_space<semaphore_mem>>, %arg10: memref<!tpu.dma_semaphore, #tpu.memory_space<semaphore_mem>>, %arg11: memref<!tpu.dma_semaphore, #tpu.memory_space<semaphore_mem>>, %arg12: memref<!tpu.dma_semaphore, #tpu.memory_space<semaphore_mem>>, %arg13: memref<!tpu.dma_semaphore, #tpu.memory_space<semaphore_mem>>, %arg14: memref<!tpu.dma_semaphore, #tpu.memory_space<semaphore_mem>>) attributes {dimension_semantics = [#tpu.dimension_semantics<core_parallel>, #tpu.dimension_semantics<subcore_parallel>], iteration_bounds = array<i64: 2, 16>, scalar_prefetch = 0 : i64, scratch_operands = 10 : i64, tpu.core_type = #tpu.core_type<sc_vector_subcore>, window_params = [{transform_indices = #map}, {transform_indices = #map}, {transform_indices = #map}]} {
    %mul3A = arith.constant 2 : i32
    %mul3A_0 = arith.muli %arg1, %mul3A : i32
    %add3A = arith.addi %mul3A_0, %arg0 : i32
    %mul3A_1 = arith.constant 5120 : i32
    %mul3A_2 = arith.muli %add3A, %mul3A_1 : i32
    %mul3A_3 = arith.constant 40 : i32
    %mul3A_4 = arith.muli %add3A, %mul3A_3 : i32
    "tpu.region"() ({
      %run_scoped3A = tpu.sem_alloc : memref<!tpu.dma_semaphore, #tpu.memory_space<semaphore_mem>>
      %dma_start3A_116 = arith.constant 0 : i32
      %dma_start3A_117 = tpu.memref_slice %arg2[%mul3A_4, %dma_start3A_116] : memref<1280x128xi32, #tpu.memory_space<hbm>> -> memref<40x128xi32, #tpu.memory_space<hbm>>
      %dma_start3A_118 = arith.constant 0 : i32
      %dma_start3A_119 = tpu.memref_slice %arg2[%mul3A_4, %dma_start3A_118] : memref<1280x128xi32, #tpu.memory_space<hbm>> -> memref<40x128xi32, #tpu.memory_space<hbm>>
      tpu.enqueue_dma source(%dma_start3A_119 : memref<40x128xi32, #tpu.memory_space<hbm>>) target(%arg5 : memref<40x128xi32, #tpu.memory_space<vmem>>) target_semaphore(%run_scoped3A : memref<!tpu.dma_semaphore, #tpu.memory_space<semaphore_mem>>)
      %dma_wait3A_120 = arith.constant 0 : i32
      %dma_wait3A_121 = tpu.memref_slice %arg2[%mul3A_4, %dma_wait3A_120] : memref<1280x128xi32, #tpu.memory_space<hbm>> -> memref<40x128xi32, #tpu.memory_space<hbm>>
      %dma_wait3A_122 = arith.constant 0 : i32
      %dma_wait3A_123 = tpu.memref_slice %arg2[%mul3A_4, %dma_wait3A_122] : memref<1280x128xi32, #tpu.memory_space<hbm>> -> memref<40x128xi32, #tpu.memory_space<hbm>>
      tpu.wait_dma2 semaphore(%run_scoped3A : memref<!tpu.dma_semaphore, #tpu.memory_space<semaphore_mem>>) src(%dma_wait3A_123 : memref<40x128xi32, #tpu.memory_space<hbm>>) dst(%arg5 : memref<40x128xi32, #tpu.memory_space<vmem>>)
      tpu.yield
    }) : () -> ()
    %dma_start3A = arith.constant 0 : i32
    %dma_start3A_5 = arith.constant 0 : i32
    %dma_start3A_6 = arith.constant 0 : i32
    %dma_start3A_7 = arith.constant 0 : i32
    %dma_start3A_8 = tpu.memref_slice %arg6[%dma_start3A_5, %dma_start3A_6, %dma_start3A_7] : memref<4x128x128xf32, #tpu.memory_space<vmem>> -> memref<1x128x128xf32, #tpu.memory_space<vmem>>
    %dma_start3A_9 = tpu.memref_squeeze %dma_start3A_8 : memref<1x128x128xf32, #tpu.memory_space<vmem>> -> memref<128x128xf32, #tpu.memory_space<vmem>>
    %dma_start3A_10 = arith.constant 0 : i32
    %dma_start3A_11 = tpu.memref_slice %arg5[%dma_start3A, %dma_start3A_10] : memref<40x128xi32, #tpu.memory_space<vmem>> -> memref<1x128xi32, #tpu.memory_space<vmem>>
    %dma_start3A_12 = tpu.memref_squeeze %dma_start3A_11 : memref<1x128xi32, #tpu.memory_space<vmem>> -> memref<128xi32, #tpu.memory_space<vmem>>
    %dma_start3A_13 = arith.constant 0 : i32
    %dma_start3A_14 = arith.constant 0 : i32
    %dma_start3A_15 = tpu.memref_slice %arg3[%dma_start3A_13, %dma_start3A_14] : memref<272384x128xf32, #tpu.memory_space<hbm>> -> memref<272384x128xf32, #tpu.memory_space<hbm>>
    tpu.enqueue_indirect_dma source(%dma_start3A_15 : memref<272384x128xf32, #tpu.memory_space<hbm>>) target(%dma_start3A_9 : memref<128x128xf32, #tpu.memory_space<vmem>>) offsets(%dma_start3A_12 : memref<128xi32, #tpu.memory_space<vmem>>) semaphore(%arg7 : memref<!tpu.dma_semaphore, #tpu.memory_space<semaphore_mem>>)
    %dma_start3A_16 = arith.constant 1 : i32
    %dma_start3A_17 = arith.constant 1 : i32
    %dma_start3A_18 = arith.constant 0 : i32
    %dma_start3A_19 = arith.constant 0 : i32
    %dma_start3A_20 = tpu.memref_slice %arg6[%dma_start3A_17, %dma_start3A_18, %dma_start3A_19] : memref<4x128x128xf32, #tpu.memory_space<vmem>> -> memref<1x128x128xf32, #tpu.memory_space<vmem>>
    %dma_start3A_21 = tpu.memref_squeeze %dma_start3A_20 : memref<1x128x128xf32, #tpu.memory_space<vmem>> -> memref<128x128xf32, #tpu.memory_space<vmem>>
    %dma_start3A_22 = arith.constant 0 : i32
    %dma_start3A_23 = tpu.memref_slice %arg5[%dma_start3A_16, %dma_start3A_22] : memref<40x128xi32, #tpu.memory_space<vmem>> -> memref<1x128xi32, #tpu.memory_space<vmem>>
    %dma_start3A_24 = tpu.memref_squeeze %dma_start3A_23 : memref<1x128xi32, #tpu.memory_space<vmem>> -> memref<128xi32, #tpu.memory_space<vmem>>
    %dma_start3A_25 = arith.constant 0 : i32
    %dma_start3A_26 = arith.constant 0 : i32
    %dma_start3A_27 = tpu.memref_slice %arg3[%dma_start3A_25, %dma_start3A_26] : memref<272384x128xf32, #tpu.memory_space<hbm>> -> memref<272384x128xf32, #tpu.memory_space<hbm>>
    tpu.enqueue_indirect_dma source(%dma_start3A_27 : memref<272384x128xf32, #tpu.memory_space<hbm>>) target(%dma_start3A_21 : memref<128x128xf32, #tpu.memory_space<vmem>>) offsets(%dma_start3A_24 : memref<128xi32, #tpu.memory_space<vmem>>) semaphore(%arg8 : memref<!tpu.dma_semaphore, #tpu.memory_space<semaphore_mem>>)
    %dma_start3A_28 = arith.constant 2 : i32
    %dma_start3A_29 = arith.constant 2 : i32
    %dma_start3A_30 = arith.constant 0 : i32
    %dma_start3A_31 = arith.constant 0 : i32
    %dma_start3A_32 = tpu.memref_slice %arg6[%dma_start3A_29, %dma_start3A_30, %dma_start3A_31] : memref<4x128x128xf32, #tpu.memory_space<vmem>> -> memref<1x128x128xf32, #tpu.memory_space<vmem>>
    %dma_start3A_33 = tpu.memref_squeeze %dma_start3A_32 : memref<1x128x128xf32, #tpu.memory_space<vmem>> -> memref<128x128xf32, #tpu.memory_space<vmem>>
    %dma_start3A_34 = arith.constant 0 : i32
    %dma_start3A_35 = tpu.memref_slice %arg5[%dma_start3A_28, %dma_start3A_34] : memref<40x128xi32, #tpu.memory_space<vmem>> -> memref<1x128xi32, #tpu.memory_space<vmem>>
    %dma_start3A_36 = tpu.memref_squeeze %dma_start3A_35 : memref<1x128xi32, #tpu.memory_space<vmem>> -> memref<128xi32, #tpu.memory_space<vmem>>
    %dma_start3A_37 = arith.constant 0 : i32
    %dma_start3A_38 = arith.constant 0 : i32
    %dma_start3A_39 = tpu.memref_slice %arg3[%dma_start3A_37, %dma_start3A_38] : memref<272384x128xf32, #tpu.memory_space<hbm>> -> memref<272384x128xf32, #tpu.memory_space<hbm>>
    tpu.enqueue_indirect_dma source(%dma_start3A_39 : memref<272384x128xf32, #tpu.memory_space<hbm>>) target(%dma_start3A_33 : memref<128x128xf32, #tpu.memory_space<vmem>>) offsets(%dma_start3A_36 : memref<128xi32, #tpu.memory_space<vmem>>) semaphore(%arg9 : memref<!tpu.dma_semaphore, #tpu.memory_space<semaphore_mem>>)
    %dma_start3A_40 = arith.constant 3 : i32
    %dma_start3A_41 = arith.constant 3 : i32
    %dma_start3A_42 = arith.constant 0 : i32
    %dma_start3A_43 = arith.constant 0 : i32
    %dma_start3A_44 = tpu.memref_slice %arg6[%dma_start3A_41, %dma_start3A_42, %dma_start3A_43] : memref<4x128x128xf32, #tpu.memory_space<vmem>> -> memref<1x128x128xf32, #tpu.memory_space<vmem>>
    %dma_start3A_45 = tpu.memref_squeeze %dma_start3A_44 : memref<1x128x128xf32, #tpu.memory_space<vmem>> -> memref<128x128xf32, #tpu.memory_space<vmem>>
    %dma_start3A_46 = arith.constant 0 : i32
    %dma_start3A_47 = tpu.memref_slice %arg5[%dma_start3A_40, %dma_start3A_46] : memref<40x128xi32, #tpu.memory_space<vmem>> -> memref<1x128xi32, #tpu.memory_space<vmem>>
    %dma_start3A_48 = tpu.memref_squeeze %dma_start3A_47 : memref<1x128xi32, #tpu.memory_space<vmem>> -> memref<128xi32, #tpu.memory_space<vmem>>
    %dma_start3A_49 = arith.constant 0 : i32
    %dma_start3A_50 = arith.constant 0 : i32
    %dma_start3A_51 = tpu.memref_slice %arg3[%dma_start3A_49, %dma_start3A_50] : memref<272384x128xf32, #tpu.memory_space<hbm>> -> memref<272384x128xf32, #tpu.memory_space<hbm>>
    tpu.enqueue_indirect_dma source(%dma_start3A_51 : memref<272384x128xf32, #tpu.memory_space<hbm>>) target(%dma_start3A_45 : memref<128x128xf32, #tpu.memory_space<vmem>>) offsets(%dma_start3A_48 : memref<128xi32, #tpu.memory_space<vmem>>) semaphore(%arg10 : memref<!tpu.dma_semaphore, #tpu.memory_space<semaphore_mem>>)
    %scan3A = arith.constant 0 : i32
    %scan3A_52 = arith.constant 0 : i32
    %scan3A_53 = arith.constant 10 : i32
    %scan3A_54 = arith.addi %scan3A_52, %scan3A_53 : i32
    %scan3A_55 = arith.constant 1 : i32
    scf.for %scan3A_116 = %scan3A_52 to %scan3A_54 step %scan3A_55  : i32 {
      %mul3A_117 = arith.constant 4 : i32
      %mul3A_118 = arith.muli %mul3A_117, %scan3A_116 : i32
      %add3A_119 = arith.constant 0 : i32
      %add3A_120 = arith.addi %mul3A_118, %add3A_119 : i32
      %dma_wait3A_121 = arith.constant 0 : i32
      %dma_wait3A_122 = arith.constant 0 : i32
      %dma_wait3A_123 = arith.constant 0 : i32
      %dma_wait3A_124 = tpu.memref_slice %arg6[%dma_wait3A_121, %dma_wait3A_122, %dma_wait3A_123] : memref<4x128x128xf32, #tpu.memory_space<vmem>> -> memref<1x128x128xf32, #tpu.memory_space<vmem>>
      %dma_wait3A_125 = tpu.memref_squeeze %dma_wait3A_124 : memref<1x128x128xf32, #tpu.memory_space<vmem>> -> memref<128x128xf32, #tpu.memory_space<vmem>>
      %dma_wait3A_126 = arith.constant 0 : i32
      %dma_wait3A_127 = tpu.memref_slice %arg5[%add3A_120, %dma_wait3A_126] : memref<40x128xi32, #tpu.memory_space<vmem>> -> memref<1x128xi32, #tpu.memory_space<vmem>>
      %dma_wait3A_128 = tpu.memref_squeeze %dma_wait3A_127 : memref<1x128xi32, #tpu.memory_space<vmem>> -> memref<128xi32, #tpu.memory_space<vmem>>
      %dma_wait3A_129 = arith.constant 0 : i32
      %dma_wait3A_130 = arith.constant 0 : i32
      %dma_wait3A_131 = tpu.memref_slice %arg3[%dma_wait3A_129, %dma_wait3A_130] : memref<272384x128xf32, #tpu.memory_space<hbm>> -> memref<272384x128xf32, #tpu.memory_space<hbm>>
      tpu.wait_indirect_dma semaphore(%arg7 : memref<!tpu.dma_semaphore, #tpu.memory_space<semaphore_mem>>) src(%dma_wait3A_131 : memref<272384x128xf32, #tpu.memory_space<hbm>>) dst(%dma_wait3A_125 : memref<128x128xf32, #tpu.memory_space<vmem>>)
      %mul3A_132 = arith.constant 128 : i32
      %mul3A_133 = arith.muli %add3A_120, %mul3A_132 : i32
      %add3A_134 = arith.addi %mul3A_2, %mul3A_133 : i32
      %dma_start3A_135 = arith.constant 0 : i32
      %dma_start3A_136 = arith.constant 0 : i32
      %dma_start3A_137 = arith.constant 0 : i32
      %dma_start3A_138 = tpu.memref_slice %arg6[%dma_start3A_135, %dma_start3A_136, %dma_start3A_137] : memref<4x128x128xf32, #tpu.memory_space<vmem>> -> memref<1x128x128xf32, #tpu.memory_space<vmem>>
      %dma_start3A_139 = tpu.memref_squeeze %dma_start3A_138 : memref<1x128x128xf32, #tpu.memory_space<vmem>> -> memref<128x128xf32, #tpu.memory_space<vmem>>
      %dma_start3A_140 = arith.constant 0 : i32
      %dma_start3A_141 = tpu.memref_slice %arg4[%add3A_134, %dma_start3A_140] : memref<163840x128xf32, #tpu.memory_space<hbm>> -> memref<128x128xf32, #tpu.memory_space<hbm>>
      %dma_start3A_142 = arith.constant 0 : i32
      %dma_start3A_143 = tpu.memref_slice %arg4[%add3A_134, %dma_start3A_142] : memref<163840x128xf32, #tpu.memory_space<hbm>> -> memref<128x128xf32, #tpu.memory_space<hbm>>
      %dma_start3A_144 = arith.constant 0 : i32
      %dma_start3A_145 = arith.constant 0 : i32
      %dma_start3A_146 = tpu.memref_slice %arg6[%dma_start3A_135, %dma_start3A_144, %dma_start3A_145] : memref<4x128x128xf32, #tpu.memory_space<vmem>> -> memref<1x128x128xf32, #tpu.memory_space<vmem>>
      %dma_start3A_147 = tpu.memref_squeeze %dma_start3A_146 : memref<1x128x128xf32, #tpu.memory_space<vmem>> -> memref<128x128xf32, #tpu.memory_space<vmem>>
      tpu.enqueue_dma source(%dma_start3A_147 : memref<128x128xf32, #tpu.memory_space<vmem>>) target(%dma_start3A_143 : memref<128x128xf32, #tpu.memory_space<hbm>>) target_semaphore(%arg11 : memref<!tpu.dma_semaphore, #tpu.memory_space<semaphore_mem>>)
      %mul3A_148 = arith.constant 4 : i32
      %mul3A_149 = arith.muli %mul3A_148, %scan3A_116 : i32
      %add3A_150 = arith.constant 1 : i32
      %add3A_151 = arith.addi %mul3A_149, %add3A_150 : i32
      %dma_wait3A_152 = arith.constant 1 : i32
      %dma_wait3A_153 = arith.constant 0 : i32
      %dma_wait3A_154 = arith.constant 0 : i32
      %dma_wait3A_155 = tpu.memref_slice %arg6[%dma_wait3A_152, %dma_wait3A_153, %dma_wait3A_154] : memref<4x128x128xf32, #tpu.memory_space<vmem>> -> memref<1x128x128xf32, #tpu.memory_space<vmem>>
      %dma_wait3A_156 = tpu.memref_squeeze %dma_wait3A_155 : memref<1x128x128xf32, #tpu.memory_space<vmem>> -> memref<128x128xf32, #tpu.memory_space<vmem>>
      %dma_wait3A_157 = arith.constant 0 : i32
      %dma_wait3A_158 = tpu.memref_slice %arg5[%add3A_151, %dma_wait3A_157] : memref<40x128xi32, #tpu.memory_space<vmem>> -> memref<1x128xi32, #tpu.memory_space<vmem>>
      %dma_wait3A_159 = tpu.memref_squeeze %dma_wait3A_158 : memref<1x128xi32, #tpu.memory_space<vmem>> -> memref<128xi32, #tpu.memory_space<vmem>>
      %dma_wait3A_160 = arith.constant 0 : i32
      %dma_wait3A_161 = arith.constant 0 : i32
      %dma_wait3A_162 = tpu.memref_slice %arg3[%dma_wait3A_160, %dma_wait3A_161] : memref<272384x128xf32, #tpu.memory_space<hbm>> -> memref<272384x128xf32, #tpu.memory_space<hbm>>
      tpu.wait_indirect_dma semaphore(%arg8 : memref<!tpu.dma_semaphore, #tpu.memory_space<semaphore_mem>>) src(%dma_wait3A_162 : memref<272384x128xf32, #tpu.memory_space<hbm>>) dst(%dma_wait3A_156 : memref<128x128xf32, #tpu.memory_space<vmem>>)
      %mul3A_163 = arith.constant 128 : i32
      %mul3A_164 = arith.muli %add3A_151, %mul3A_163 : i32
      %add3A_165 = arith.addi %mul3A_2, %mul3A_164 : i32
      %dma_start3A_166 = arith.constant 1 : i32
      %dma_start3A_167 = arith.constant 0 : i32
      %dma_start3A_168 = arith.constant 0 : i32
      %dma_start3A_169 = tpu.memref_slice %arg6[%dma_start3A_166, %dma_start3A_167, %dma_start3A_168] : memref<4x128x128xf32, #tpu.memory_space<vmem>> -> memref<1x128x128xf32, #tpu.memory_space<vmem>>
      %dma_start3A_170 = tpu.memref_squeeze %dma_start3A_169 : memref<1x128x128xf32, #tpu.memory_space<vmem>> -> memref<128x128xf32, #tpu.memory_space<vmem>>
      %dma_start3A_171 = arith.constant 0 : i32
      %dma_start3A_172 = tpu.memref_slice %arg4[%add3A_165, %dma_start3A_171] : memref<163840x128xf32, #tpu.memory_space<hbm>> -> memref<128x128xf32, #tpu.memory_space<hbm>>
      %dma_start3A_173 = arith.constant 0 : i32
      %dma_start3A_174 = tpu.memref_slice %arg4[%add3A_165, %dma_start3A_173] : memref<163840x128xf32, #tpu.memory_space<hbm>> -> memref<128x128xf32, #tpu.memory_space<hbm>>
      %dma_start3A_175 = arith.constant 0 : i32
      %dma_start3A_176 = arith.constant 0 : i32
      %dma_start3A_177 = tpu.memref_slice %arg6[%dma_start3A_166, %dma_start3A_175, %dma_start3A_176] : memref<4x128x128xf32, #tpu.memory_space<vmem>> -> memref<1x128x128xf32, #tpu.memory_space<vmem>>
      %dma_start3A_178 = tpu.memref_squeeze %dma_start3A_177 : memref<1x128x128xf32, #tpu.memory_space<vmem>> -> memref<128x128xf32, #tpu.memory_space<vmem>>
      tpu.enqueue_dma source(%dma_start3A_178 : memref<128x128xf32, #tpu.memory_space<vmem>>) target(%dma_start3A_174 : memref<128x128xf32, #tpu.memory_space<hbm>>) target_semaphore(%arg12 : memref<!tpu.dma_semaphore, #tpu.memory_space<semaphore_mem>>)
      %mul3A_179 = arith.constant 4 : i32
      %mul3A_180 = arith.muli %mul3A_179, %scan3A_116 : i32
      %add3A_181 = arith.constant 2 : i32
      %add3A_182 = arith.addi %mul3A_180, %add3A_181 : i32
      %dma_wait3A_183 = arith.constant 2 : i32
      %dma_wait3A_184 = arith.constant 0 : i32
      %dma_wait3A_185 = arith.constant 0 : i32
      %dma_wait3A_186 = tpu.memref_slice %arg6[%dma_wait3A_183, %dma_wait3A_184, %dma_wait3A_185] : memref<4x128x128xf32, #tpu.memory_space<vmem>> -> memref<1x128x128xf32, #tpu.memory_space<vmem>>
      %dma_wait3A_187 = tpu.memref_squeeze %dma_wait3A_186 : memref<1x128x128xf32, #tpu.memory_space<vmem>> -> memref<128x128xf32, #tpu.memory_space<vmem>>
      %dma_wait3A_188 = arith.constant 0 : i32
      %dma_wait3A_189 = tpu.memref_slice %arg5[%add3A_182, %dma_wait3A_188] : memref<40x128xi32, #tpu.memory_space<vmem>> -> memref<1x128xi32, #tpu.memory_space<vmem>>
      %dma_wait3A_190 = tpu.memref_squeeze %dma_wait3A_189 : memref<1x128xi32, #tpu.memory_space<vmem>> -> memref<128xi32, #tpu.memory_space<vmem>>
      %dma_wait3A_191 = arith.constant 0 : i32
      %dma_wait3A_192 = arith.constant 0 : i32
      %dma_wait3A_193 = tpu.memref_slice %arg3[%dma_wait3A_191, %dma_wait3A_192] : memref<272384x128xf32, #tpu.memory_space<hbm>> -> memref<272384x128xf32, #tpu.memory_space<hbm>>
      tpu.wait_indirect_dma semaphore(%arg9 : memref<!tpu.dma_semaphore, #tpu.memory_space<semaphore_mem>>) src(%dma_wait3A_193 : memref<272384x128xf32, #tpu.memory_space<hbm>>) dst(%dma_wait3A_187 : memref<128x128xf32, #tpu.memory_space<vmem>>)
      %mul3A_194 = arith.constant 128 : i32
      %mul3A_195 = arith.muli %add3A_182, %mul3A_194 : i32
      %add3A_196 = arith.addi %mul3A_2, %mul3A_195 : i32
      %dma_start3A_197 = arith.constant 2 : i32
      %dma_start3A_198 = arith.constant 0 : i32
      %dma_start3A_199 = arith.constant 0 : i32
      %dma_start3A_200 = tpu.memref_slice %arg6[%dma_start3A_197, %dma_start3A_198, %dma_start3A_199] : memref<4x128x128xf32, #tpu.memory_space<vmem>> -> memref<1x128x128xf32, #tpu.memory_space<vmem>>
      %dma_start3A_201 = tpu.memref_squeeze %dma_start3A_200 : memref<1x128x128xf32, #tpu.memory_space<vmem>> -> memref<128x128xf32, #tpu.memory_space<vmem>>
      %dma_start3A_202 = arith.constant 0 : i32
      %dma_start3A_203 = tpu.memref_slice %arg4[%add3A_196, %dma_start3A_202] : memref<163840x128xf32, #tpu.memory_space<hbm>> -> memref<128x128xf32, #tpu.memory_space<hbm>>
      %dma_start3A_204 = arith.constant 0 : i32
      %dma_start3A_205 = tpu.memref_slice %arg4[%add3A_196, %dma_start3A_204] : memref<163840x128xf32, #tpu.memory_space<hbm>> -> memref<128x128xf32, #tpu.memory_space<hbm>>
      %dma_start3A_206 = arith.constant 0 : i32
      %dma_start3A_207 = arith.constant 0 : i32
      %dma_start3A_208 = tpu.memref_slice %arg6[%dma_start3A_197, %dma_start3A_206, %dma_start3A_207] : memref<4x128x128xf32, #tpu.memory_space<vmem>> -> memref<1x128x128xf32, #tpu.memory_space<vmem>>
      %dma_start3A_209 = tpu.memref_squeeze %dma_start3A_208 : memref<1x128x128xf32, #tpu.memory_space<vmem>> -> memref<128x128xf32, #tpu.memory_space<vmem>>
      tpu.enqueue_dma source(%dma_start3A_209 : memref<128x128xf32, #tpu.memory_space<vmem>>) target(%dma_start3A_205 : memref<128x128xf32, #tpu.memory_space<hbm>>) target_semaphore(%arg13 : memref<!tpu.dma_semaphore, #tpu.memory_space<semaphore_mem>>)
      %mul3A_210 = arith.constant 4 : i32
      %mul3A_211 = arith.muli %mul3A_210, %scan3A_116 : i32
      %add3A_212 = arith.constant 3 : i32
      %add3A_213 = arith.addi %mul3A_211, %add3A_212 : i32
      %dma_wait3A_214 = arith.constant 3 : i32
      %dma_wait3A_215 = arith.constant 0 : i32
      %dma_wait3A_216 = arith.constant 0 : i32
      %dma_wait3A_217 = tpu.memref_slice %arg6[%dma_wait3A_214, %dma_wait3A_215, %dma_wait3A_216] : memref<4x128x128xf32, #tpu.memory_space<vmem>> -> memref<1x128x128xf32, #tpu.memory_space<vmem>>
      %dma_wait3A_218 = tpu.memref_squeeze %dma_wait3A_217 : memref<1x128x128xf32, #tpu.memory_space<vmem>> -> memref<128x128xf32, #tpu.memory_space<vmem>>
      %dma_wait3A_219 = arith.constant 0 : i32
      %dma_wait3A_220 = tpu.memref_slice %arg5[%add3A_213, %dma_wait3A_219] : memref<40x128xi32, #tpu.memory_space<vmem>> -> memref<1x128xi32, #tpu.memory_space<vmem>>
      %dma_wait3A_221 = tpu.memref_squeeze %dma_wait3A_220 : memref<1x128xi32, #tpu.memory_space<vmem>> -> memref<128xi32, #tpu.memory_space<vmem>>
      %dma_wait3A_222 = arith.constant 0 : i32
      %dma_wait3A_223 = arith.constant 0 : i32
      %dma_wait3A_224 = tpu.memref_slice %arg3[%dma_wait3A_222, %dma_wait3A_223] : memref<272384x128xf32, #tpu.memory_space<hbm>> -> memref<272384x128xf32, #tpu.memory_space<hbm>>
      tpu.wait_indirect_dma semaphore(%arg10 : memref<!tpu.dma_semaphore, #tpu.memory_space<semaphore_mem>>) src(%dma_wait3A_224 : memref<272384x128xf32, #tpu.memory_space<hbm>>) dst(%dma_wait3A_218 : memref<128x128xf32, #tpu.memory_space<vmem>>)
      %mul3A_225 = arith.constant 128 : i32
      %mul3A_226 = arith.muli %add3A_213, %mul3A_225 : i32
      %add3A_227 = arith.addi %mul3A_2, %mul3A_226 : i32
      %dma_start3A_228 = arith.constant 3 : i32
      %dma_start3A_229 = arith.constant 0 : i32
      %dma_start3A_230 = arith.constant 0 : i32
      %dma_start3A_231 = tpu.memref_slice %arg6[%dma_start3A_228, %dma_start3A_229, %dma_start3A_230] : memref<4x128x128xf32, #tpu.memory_space<vmem>> -> memref<1x128x128xf32, #tpu.memory_space<vmem>>
      %dma_start3A_232 = tpu.memref_squeeze %dma_start3A_231 : memref<1x128x128xf32, #tpu.memory_space<vmem>> -> memref<128x128xf32, #tpu.memory_space<vmem>>
      %dma_start3A_233 = arith.constant 0 : i32
      %dma_start3A_234 = tpu.memref_slice %arg4[%add3A_227, %dma_start3A_233] : memref<163840x128xf32, #tpu.memory_space<hbm>> -> memref<128x128xf32, #tpu.memory_space<hbm>>
      %dma_start3A_235 = arith.constant 0 : i32
      %dma_start3A_236 = tpu.memref_slice %arg4[%add3A_227, %dma_start3A_235] : memref<163840x128xf32, #tpu.memory_space<hbm>> -> memref<128x128xf32, #tpu.memory_space<hbm>>
      %dma_start3A_237 = arith.constant 0 : i32
      %dma_start3A_238 = arith.constant 0 : i32
      %dma_start3A_239 = tpu.memref_slice %arg6[%dma_start3A_228, %dma_start3A_237, %dma_start3A_238] : memref<4x128x128xf32, #tpu.memory_space<vmem>> -> memref<1x128x128xf32, #tpu.memory_space<vmem>>
      %dma_start3A_240 = tpu.memref_squeeze %dma_start3A_239 : memref<1x128x128xf32, #tpu.memory_space<vmem>> -> memref<128x128xf32, #tpu.memory_space<vmem>>
      tpu.enqueue_dma source(%dma_start3A_240 : memref<128x128xf32, #tpu.memory_space<vmem>>) target(%dma_start3A_236 : memref<128x128xf32, #tpu.memory_space<hbm>>) target_semaphore(%arg14 : memref<!tpu.dma_semaphore, #tpu.memory_space<semaphore_mem>>)
      %mul3A_241 = arith.constant 4 : i32
      %mul3A_242 = arith.muli %mul3A_241, %scan3A_116 : i32
      %add3A_243 = arith.constant 0 : i32
      %add3A_244 = arith.addi %mul3A_242, %add3A_243 : i32
      %add3A_245 = arith.constant 4 : i32
      %add3A_246 = arith.addi %add3A_244, %add3A_245 : i32
      %lt3A = arith.constant 40 : i32
      %lt3A_247 = arith.cmpi slt, %add3A_246, %lt3A : i32
      %convert_element_type3A = arith.extui %lt3A_247 : i1 to i32
      %cond3A = arith.constant 0 : i32
      %cond3A_248 = arith.cmpi ne, %convert_element_type3A, %cond3A : i32
      scf.if %cond3A_248 {
        %mul3A_282 = arith.constant 128 : i32
        %mul3A_283 = arith.muli %add3A_244, %mul3A_282 : i32
        %add3A_284 = arith.addi %mul3A_2, %mul3A_283 : i32
        %dma_wait3A_285 = arith.constant 0 : i32
        %dma_wait3A_286 = arith.constant 0 : i32
        %dma_wait3A_287 = arith.constant 0 : i32
        %dma_wait3A_288 = tpu.memref_slice %arg6[%dma_wait3A_285, %dma_wait3A_286, %dma_wait3A_287] : memref<4x128x128xf32, #tpu.memory_space<vmem>> -> memref<1x128x128xf32, #tpu.memory_space<vmem>>
        %dma_wait3A_289 = tpu.memref_squeeze %dma_wait3A_288 : memref<1x128x128xf32, #tpu.memory_space<vmem>> -> memref<128x128xf32, #tpu.memory_space<vmem>>
        %dma_wait3A_290 = arith.constant 0 : i32
        %dma_wait3A_291 = tpu.memref_slice %arg4[%add3A_284, %dma_wait3A_290] : memref<163840x128xf32, #tpu.memory_space<hbm>> -> memref<128x128xf32, #tpu.memory_space<hbm>>
        %dma_wait3A_292 = arith.constant 0 : i32
        %dma_wait3A_293 = tpu.memref_slice %arg4[%add3A_284, %dma_wait3A_292] : memref<163840x128xf32, #tpu.memory_space<hbm>> -> memref<128x128xf32, #tpu.memory_space<hbm>>
        %dma_wait3A_294 = arith.constant 0 : i32
        %dma_wait3A_295 = arith.constant 0 : i32
        %dma_wait3A_296 = tpu.memref_slice %arg6[%dma_wait3A_285, %dma_wait3A_294, %dma_wait3A_295] : memref<4x128x128xf32, #tpu.memory_space<vmem>> -> memref<1x128x128xf32, #tpu.memory_space<vmem>>
        %dma_wait3A_297 = tpu.memref_squeeze %dma_wait3A_296 : memref<1x128x128xf32, #tpu.memory_space<vmem>> -> memref<128x128xf32, #tpu.memory_space<vmem>>
        tpu.wait_dma2 semaphore(%arg11 : memref<!tpu.dma_semaphore, #tpu.memory_space<semaphore_mem>>) src(%dma_wait3A_297 : memref<128x128xf32, #tpu.memory_space<vmem>>) dst(%dma_wait3A_293 : memref<128x128xf32, #tpu.memory_space<hbm>>)
        %dma_start3A_298 = arith.constant 0 : i32
        %dma_start3A_299 = arith.constant 0 : i32
        %dma_start3A_300 = arith.constant 0 : i32
        %dma_start3A_301 = tpu.memref_slice %arg6[%dma_start3A_298, %dma_start3A_299, %dma_start3A_300] : memref<4x128x128xf32, #tpu.memory_space<vmem>> -> memref<1x128x128xf32, #tpu.memory_space<vmem>>
        %dma_start3A_302 = tpu.memref_squeeze %dma_start3A_301 : memref<1x128x128xf32, #tpu.memory_space<vmem>> -> memref<128x128xf32, #tpu.memory_space<vmem>>
        %dma_start3A_303 = arith.constant 0 : i32
        %dma_start3A_304 = tpu.memref_slice %arg5[%add3A_246, %dma_start3A_303] : memref<40x128xi32, #tpu.memory_space<vmem>> -> memref<1x128xi32, #tpu.memory_space<vmem>>
        %dma_start3A_305 = tpu.memref_squeeze %dma_start3A_304 : memref<1x128xi32, #tpu.memory_space<vmem>> -> memref<128xi32, #tpu.memory_space<vmem>>
        %dma_start3A_306 = arith.constant 0 : i32
        %dma_start3A_307 = arith.constant 0 : i32
        %dma_start3A_308 = tpu.memref_slice %arg3[%dma_start3A_306, %dma_start3A_307] : memref<272384x128xf32, #tpu.memory_space<hbm>> -> memref<272384x128xf32, #tpu.memory_space<hbm>>
        tpu.enqueue_indirect_dma source(%dma_start3A_308 : memref<272384x128xf32, #tpu.memory_space<hbm>>) target(%dma_start3A_302 : memref<128x128xf32, #tpu.memory_space<vmem>>) offsets(%dma_start3A_305 : memref<128xi32, #tpu.memory_space<vmem>>) semaphore(%arg7 : memref<!tpu.dma_semaphore, #tpu.memory_space<semaphore_mem>>)
      } else {
      }
      %mul3A_249 = arith.constant 4 : i32
      %mul3A_250 = arith.muli %mul3A_249, %scan3A_116 : i32
      %add3A_251 = arith.constant 1 : i32
      %add3A_252 = arith.addi %mul3A_250, %add3A_251 : i32
      %add3A_253 = arith.constant 4 : i32
      %add3A_254 = arith.addi %add3A_252, %add3A_253 : i32
      %lt3A_255 = arith.constant 40 : i32
      %lt3A_256 = arith.cmpi slt, %add3A_254, %lt3A_255 : i32
      %convert_element_type3A_257 = arith.extui %lt3A_256 : i1 to i32
      %cond3A_258 = arith.constant 0 : i32
      %cond3A_259 = arith.cmpi ne, %convert_element_type3A_257, %cond3A_258 : i32
      scf.if %cond3A_259 {
        %mul3A_282 = arith.constant 128 : i32
        %mul3A_283 = arith.muli %add3A_252, %mul3A_282 : i32
        %add3A_284 = arith.addi %mul3A_2, %mul3A_283 : i32
        %dma_wait3A_285 = arith.constant 1 : i32
        %dma_wait3A_286 = arith.constant 0 : i32
        %dma_wait3A_287 = arith.constant 0 : i32
        %dma_wait3A_288 = tpu.memref_slice %arg6[%dma_wait3A_285, %dma_wait3A_286, %dma_wait3A_287] : memref<4x128x128xf32, #tpu.memory_space<vmem>> -> memref<1x128x128xf32, #tpu.memory_space<vmem>>
        %dma_wait3A_289 = tpu.memref_squeeze %dma_wait3A_288 : memref<1x128x128xf32, #tpu.memory_space<vmem>> -> memref<128x128xf32, #tpu.memory_space<vmem>>
        %dma_wait3A_290 = arith.constant 0 : i32
        %dma_wait3A_291 = tpu.memref_slice %arg4[%add3A_284, %dma_wait3A_290] : memref<163840x128xf32, #tpu.memory_space<hbm>> -> memref<128x128xf32, #tpu.memory_space<hbm>>
        %dma_wait3A_292 = arith.constant 0 : i32
        %dma_wait3A_293 = tpu.memref_slice %arg4[%add3A_284, %dma_wait3A_292] : memref<163840x128xf32, #tpu.memory_space<hbm>> -> memref<128x128xf32, #tpu.memory_space<hbm>>
        %dma_wait3A_294 = arith.constant 0 : i32
        %dma_wait3A_295 = arith.constant 0 : i32
        %dma_wait3A_296 = tpu.memref_slice %arg6[%dma_wait3A_285, %dma_wait3A_294, %dma_wait3A_295] : memref<4x128x128xf32, #tpu.memory_space<vmem>> -> memref<1x128x128xf32, #tpu.memory_space<vmem>>
        %dma_wait3A_297 = tpu.memref_squeeze %dma_wait3A_296 : memref<1x128x128xf32, #tpu.memory_space<vmem>> -> memref<128x128xf32, #tpu.memory_space<vmem>>
        tpu.wait_dma2 semaphore(%arg12 : memref<!tpu.dma_semaphore, #tpu.memory_space<semaphore_mem>>) src(%dma_wait3A_297 : memref<128x128xf32, #tpu.memory_space<vmem>>) dst(%dma_wait3A_293 : memref<128x128xf32, #tpu.memory_space<hbm>>)
        %dma_start3A_298 = arith.constant 1 : i32
        %dma_start3A_299 = arith.constant 0 : i32
        %dma_start3A_300 = arith.constant 0 : i32
        %dma_start3A_301 = tpu.memref_slice %arg6[%dma_start3A_298, %dma_start3A_299, %dma_start3A_300] : memref<4x128x128xf32, #tpu.memory_space<vmem>> -> memref<1x128x128xf32, #tpu.memory_space<vmem>>
        %dma_start3A_302 = tpu.memref_squeeze %dma_start3A_301 : memref<1x128x128xf32, #tpu.memory_space<vmem>> -> memref<128x128xf32, #tpu.memory_space<vmem>>
        %dma_start3A_303 = arith.constant 0 : i32
        %dma_start3A_304 = tpu.memref_slice %arg5[%add3A_254, %dma_start3A_303] : memref<40x128xi32, #tpu.memory_space<vmem>> -> memref<1x128xi32, #tpu.memory_space<vmem>>
        %dma_start3A_305 = tpu.memref_squeeze %dma_start3A_304 : memref<1x128xi32, #tpu.memory_space<vmem>> -> memref<128xi32, #tpu.memory_space<vmem>>
        %dma_start3A_306 = arith.constant 0 : i32
        %dma_start3A_307 = arith.constant 0 : i32
        %dma_start3A_308 = tpu.memref_slice %arg3[%dma_start3A_306, %dma_start3A_307] : memref<272384x128xf32, #tpu.memory_space<hbm>> -> memref<272384x128xf32, #tpu.memory_space<hbm>>
        tpu.enqueue_indirect_dma source(%dma_start3A_308 : memref<272384x128xf32, #tpu.memory_space<hbm>>) target(%dma_start3A_302 : memref<128x128xf32, #tpu.memory_space<vmem>>) offsets(%dma_start3A_305 : memref<128xi32, #tpu.memory_space<vmem>>) semaphore(%arg8 : memref<!tpu.dma_semaphore, #tpu.memory_space<semaphore_mem>>)
      } else {
      }
      %mul3A_260 = arith.constant 4 : i32
      %mul3A_261 = arith.muli %mul3A_260, %scan3A_116 : i32
      %add3A_262 = arith.constant 2 : i32
      %add3A_263 = arith.addi %mul3A_261, %add3A_262 : i32
      %add3A_264 = arith.constant 4 : i32
      %add3A_265 = arith.addi %add3A_263, %add3A_264 : i32
      %lt3A_266 = arith.constant 40 : i32
      %lt3A_267 = arith.cmpi slt, %add3A_265, %lt3A_266 : i32
      %convert_element_type3A_268 = arith.extui %lt3A_267 : i1 to i32
      %cond3A_269 = arith.constant 0 : i32
      %cond3A_270 = arith.cmpi ne, %convert_element_type3A_268, %cond3A_269 : i32
      scf.if %cond3A_270 {
        %mul3A_282 = arith.constant 128 : i32
        %mul3A_283 = arith.muli %add3A_263, %mul3A_282 : i32
        %add3A_284 = arith.addi %mul3A_2, %mul3A_283 : i32
        %dma_wait3A_285 = arith.constant 2 : i32
        %dma_wait3A_286 = arith.constant 0 : i32
        %dma_wait3A_287 = arith.constant 0 : i32
        %dma_wait3A_288 = tpu.memref_slice %arg6[%dma_wait3A_285, %dma_wait3A_286, %dma_wait3A_287] : memref<4x128x128xf32, #tpu.memory_space<vmem>> -> memref<1x128x128xf32, #tpu.memory_space<vmem>>
        %dma_wait3A_289 = tpu.memref_squeeze %dma_wait3A_288 : memref<1x128x128xf32, #tpu.memory_space<vmem>> -> memref<128x128xf32, #tpu.memory_space<vmem>>
        %dma_wait3A_290 = arith.constant 0 : i32
        %dma_wait3A_291 = tpu.memref_slice %arg4[%add3A_284, %dma_wait3A_290] : memref<163840x128xf32, #tpu.memory_space<hbm>> -> memref<128x128xf32, #tpu.memory_space<hbm>>
        %dma_wait3A_292 = arith.constant 0 : i32
        %dma_wait3A_293 = tpu.memref_slice %arg4[%add3A_284, %dma_wait3A_292] : memref<163840x128xf32, #tpu.memory_space<hbm>> -> memref<128x128xf32, #tpu.memory_space<hbm>>
        %dma_wait3A_294 = arith.constant 0 : i32
        %dma_wait3A_295 = arith.constant 0 : i32
        %dma_wait3A_296 = tpu.memref_slice %arg6[%dma_wait3A_285, %dma_wait3A_294, %dma_wait3A_295] : memref<4x128x128xf32, #tpu.memory_space<vmem>> -> memref<1x128x128xf32, #tpu.memory_space<vmem>>
        %dma_wait3A_297 = tpu.memref_squeeze %dma_wait3A_296 : memref<1x128x128xf32, #tpu.memory_space<vmem>> -> memref<128x128xf32, #tpu.memory_space<vmem>>
        tpu.wait_dma2 semaphore(%arg13 : memref<!tpu.dma_semaphore, #tpu.memory_space<semaphore_mem>>) src(%dma_wait3A_297 : memref<128x128xf32, #tpu.memory_space<vmem>>) dst(%dma_wait3A_293 : memref<128x128xf32, #tpu.memory_space<hbm>>)
        %dma_start3A_298 = arith.constant 2 : i32
        %dma_start3A_299 = arith.constant 0 : i32
        %dma_start3A_300 = arith.constant 0 : i32
        %dma_start3A_301 = tpu.memref_slice %arg6[%dma_start3A_298, %dma_start3A_299, %dma_start3A_300] : memref<4x128x128xf32, #tpu.memory_space<vmem>> -> memref<1x128x128xf32, #tpu.memory_space<vmem>>
        %dma_start3A_302 = tpu.memref_squeeze %dma_start3A_301 : memref<1x128x128xf32, #tpu.memory_space<vmem>> -> memref<128x128xf32, #tpu.memory_space<vmem>>
        %dma_start3A_303 = arith.constant 0 : i32
        %dma_start3A_304 = tpu.memref_slice %arg5[%add3A_265, %dma_start3A_303] : memref<40x128xi32, #tpu.memory_space<vmem>> -> memref<1x128xi32, #tpu.memory_space<vmem>>
        %dma_start3A_305 = tpu.memref_squeeze %dma_start3A_304 : memref<1x128xi32, #tpu.memory_space<vmem>> -> memref<128xi32, #tpu.memory_space<vmem>>
        %dma_start3A_306 = arith.constant 0 : i32
        %dma_start3A_307 = arith.constant 0 : i32
        %dma_start3A_308 = tpu.memref_slice %arg3[%dma_start3A_306, %dma_start3A_307] : memref<272384x128xf32, #tpu.memory_space<hbm>> -> memref<272384x128xf32, #tpu.memory_space<hbm>>
        tpu.enqueue_indirect_dma source(%dma_start3A_308 : memref<272384x128xf32, #tpu.memory_space<hbm>>) target(%dma_start3A_302 : memref<128x128xf32, #tpu.memory_space<vmem>>) offsets(%dma_start3A_305 : memref<128xi32, #tpu.memory_space<vmem>>) semaphore(%arg9 : memref<!tpu.dma_semaphore, #tpu.memory_space<semaphore_mem>>)
      } else {
      }
      %mul3A_271 = arith.constant 4 : i32
      %mul3A_272 = arith.muli %mul3A_271, %scan3A_116 : i32
      %add3A_273 = arith.constant 3 : i32
      %add3A_274 = arith.addi %mul3A_272, %add3A_273 : i32
      %add3A_275 = arith.constant 4 : i32
      %add3A_276 = arith.addi %add3A_274, %add3A_275 : i32
      %lt3A_277 = arith.constant 40 : i32
      %lt3A_278 = arith.cmpi slt, %add3A_276, %lt3A_277 : i32
      %convert_element_type3A_279 = arith.extui %lt3A_278 : i1 to i32
      %cond3A_280 = arith.constant 0 : i32
      %cond3A_281 = arith.cmpi ne, %convert_element_type3A_279, %cond3A_280 : i32
      scf.if %cond3A_281 {
        %mul3A_282 = arith.constant 128 : i32
        %mul3A_283 = arith.muli %add3A_274, %mul3A_282 : i32
        %add3A_284 = arith.addi %mul3A_2, %mul3A_283 : i32
        %dma_wait3A_285 = arith.constant 3 : i32
        %dma_wait3A_286 = arith.constant 0 : i32
        %dma_wait3A_287 = arith.constant 0 : i32
        %dma_wait3A_288 = tpu.memref_slice %arg6[%dma_wait3A_285, %dma_wait3A_286, %dma_wait3A_287] : memref<4x128x128xf32, #tpu.memory_space<vmem>> -> memref<1x128x128xf32, #tpu.memory_space<vmem>>
        %dma_wait3A_289 = tpu.memref_squeeze %dma_wait3A_288 : memref<1x128x128xf32, #tpu.memory_space<vmem>> -> memref<128x128xf32, #tpu.memory_space<vmem>>
        %dma_wait3A_290 = arith.constant 0 : i32
        %dma_wait3A_291 = tpu.memref_slice %arg4[%add3A_284, %dma_wait3A_290] : memref<163840x128xf32, #tpu.memory_space<hbm>> -> memref<128x128xf32, #tpu.memory_space<hbm>>
        %dma_wait3A_292 = arith.constant 0 : i32
        %dma_wait3A_293 = tpu.memref_slice %arg4[%add3A_284, %dma_wait3A_292] : memref<163840x128xf32, #tpu.memory_space<hbm>> -> memref<128x128xf32, #tpu.memory_space<hbm>>
        %dma_wait3A_294 = arith.constant 0 : i32
        %dma_wait3A_295 = arith.constant 0 : i32
        %dma_wait3A_296 = tpu.memref_slice %arg6[%dma_wait3A_285, %dma_wait3A_294, %dma_wait3A_295] : memref<4x128x128xf32, #tpu.memory_space<vmem>> -> memref<1x128x128xf32, #tpu.memory_space<vmem>>
        %dma_wait3A_297 = tpu.memref_squeeze %dma_wait3A_296 : memref<1x128x128xf32, #tpu.memory_space<vmem>> -> memref<128x128xf32, #tpu.memory_space<vmem>>
        tpu.wait_dma2 semaphore(%arg14 : memref<!tpu.dma_semaphore, #tpu.memory_space<semaphore_mem>>) src(%dma_wait3A_297 : memref<128x128xf32, #tpu.memory_space<vmem>>) dst(%dma_wait3A_293 : memref<128x128xf32, #tpu.memory_space<hbm>>)
        %dma_start3A_298 = arith.constant 3 : i32
        %dma_start3A_299 = arith.constant 0 : i32
        %dma_start3A_300 = arith.constant 0 : i32
        %dma_start3A_301 = tpu.memref_slice %arg6[%dma_start3A_298, %dma_start3A_299, %dma_start3A_300] : memref<4x128x128xf32, #tpu.memory_space<vmem>> -> memref<1x128x128xf32, #tpu.memory_space<vmem>>
        %dma_start3A_302 = tpu.memref_squeeze %dma_start3A_301 : memref<1x128x128xf32, #tpu.memory_space<vmem>> -> memref<128x128xf32, #tpu.memory_space<vmem>>
        %dma_start3A_303 = arith.constant 0 : i32
        %dma_start3A_304 = tpu.memref_slice %arg5[%add3A_276, %dma_start3A_303] : memref<40x128xi32, #tpu.memory_space<vmem>> -> memref<1x128xi32, #tpu.memory_space<vmem>>
        %dma_start3A_305 = tpu.memref_squeeze %dma_start3A_304 : memref<1x128xi32, #tpu.memory_space<vmem>> -> memref<128xi32, #tpu.memory_space<vmem>>
        %dma_start3A_306 = arith.constant 0 : i32
        %dma_start3A_307 = arith.constant 0 : i32
        %dma_start3A_308 = tpu.memref_slice %arg3[%dma_start3A_306, %dma_start3A_307] : memref<272384x128xf32, #tpu.memory_space<hbm>> -> memref<272384x128xf32, #tpu.memory_space<hbm>>
        tpu.enqueue_indirect_dma source(%dma_start3A_308 : memref<272384x128xf32, #tpu.memory_space<hbm>>) target(%dma_start3A_302 : memref<128x128xf32, #tpu.memory_space<vmem>>) offsets(%dma_start3A_305 : memref<128xi32, #tpu.memory_space<vmem>>) semaphore(%arg10 : memref<!tpu.dma_semaphore, #tpu.memory_space<semaphore_mem>>)
      } else {
      }
    }
    %scan3A_56 = arith.constant 10 : i32
    %add3A_57 = arith.constant 4608 : i32
    %add3A_58 = arith.addi %mul3A_2, %add3A_57 : i32
    %dma_wait3A = arith.constant 0 : i32
    %dma_wait3A_59 = arith.constant 0 : i32
    %dma_wait3A_60 = arith.constant 0 : i32
    %dma_wait3A_61 = tpu.memref_slice %arg6[%dma_wait3A, %dma_wait3A_59, %dma_wait3A_60] : memref<4x128x128xf32, #tpu.memory_space<vmem>> -> memref<1x128x128xf32, #tpu.memory_space<vmem>>
    %dma_wait3A_62 = tpu.memref_squeeze %dma_wait3A_61 : memref<1x128x128xf32, #tpu.memory_space<vmem>> -> memref<128x128xf32, #tpu.memory_space<vmem>>
    %dma_wait3A_63 = arith.constant 0 : i32
    %dma_wait3A_64 = tpu.memref_slice %arg4[%add3A_58, %dma_wait3A_63] : memref<163840x128xf32, #tpu.memory_space<hbm>> -> memref<128x128xf32, #tpu.memory_space<hbm>>
    %dma_wait3A_65 = arith.constant 0 : i32
    %dma_wait3A_66 = tpu.memref_slice %arg4[%add3A_58, %dma_wait3A_65] : memref<163840x128xf32, #tpu.memory_space<hbm>> -> memref<128x128xf32, #tpu.memory_space<hbm>>
    %dma_wait3A_67 = arith.constant 0 : i32
    %dma_wait3A_68 = arith.constant 0 : i32
    %dma_wait3A_69 = tpu.memref_slice %arg6[%dma_wait3A, %dma_wait3A_67, %dma_wait3A_68] : memref<4x128x128xf32, #tpu.memory_space<vmem>> -> memref<1x128x128xf32, #tpu.memory_space<vmem>>
    %dma_wait3A_70 = tpu.memref_squeeze %dma_wait3A_69 : memref<1x128x128xf32, #tpu.memory_space<vmem>> -> memref<128x128xf32, #tpu.memory_space<vmem>>
    tpu.wait_dma2 semaphore(%arg11 : memref<!tpu.dma_semaphore, #tpu.memory_space<semaphore_mem>>) src(%dma_wait3A_70 : memref<128x128xf32, #tpu.memory_space<vmem>>) dst(%dma_wait3A_66 : memref<128x128xf32, #tpu.memory_space<hbm>>)
    %add3A_71 = arith.constant 4736 : i32
    %add3A_72 = arith.addi %mul3A_2, %add3A_71 : i32
    %dma_wait3A_73 = arith.constant 1 : i32
    %dma_wait3A_74 = arith.constant 0 : i32
    %dma_wait3A_75 = arith.constant 0 : i32
    %dma_wait3A_76 = tpu.memref_slice %arg6[%dma_wait3A_73, %dma_wait3A_74, %dma_wait3A_75] : memref<4x128x128xf32, #tpu.memory_space<vmem>> -> memref<1x128x128xf32, #tpu.memory_space<vmem>>
    %dma_wait3A_77 = tpu.memref_squeeze %dma_wait3A_76 : memref<1x128x128xf32, #tpu.memory_space<vmem>> -> memref<128x128xf32, #tpu.memory_space<vmem>>
    %dma_wait3A_78 = arith.constant 0 : i32
    %dma_wait3A_79 = tpu.memref_slice %arg4[%add3A_72, %dma_wait3A_78] : memref<163840x128xf32, #tpu.memory_space<hbm>> -> memref<128x128xf32, #tpu.memory_space<hbm>>
    %dma_wait3A_80 = arith.constant 0 : i32
    %dma_wait3A_81 = tpu.memref_slice %arg4[%add3A_72, %dma_wait3A_80] : memref<163840x128xf32, #tpu.memory_space<hbm>> -> memref<128x128xf32, #tpu.memory_space<hbm>>
    %dma_wait3A_82 = arith.constant 0 : i32
    %dma_wait3A_83 = arith.constant 0 : i32
    %dma_wait3A_84 = tpu.memref_slice %arg6[%dma_wait3A_73, %dma_wait3A_82, %dma_wait3A_83] : memref<4x128x128xf32, #tpu.memory_space<vmem>> -> memref<1x128x128xf32, #tpu.memory_space<vmem>>
    %dma_wait3A_85 = tpu.memref_squeeze %dma_wait3A_84 : memref<1x128x128xf32, #tpu.memory_space<vmem>> -> memref<128x128xf32, #tpu.memory_space<vmem>>
    tpu.wait_dma2 semaphore(%arg12 : memref<!tpu.dma_semaphore, #tpu.memory_space<semaphore_mem>>) src(%dma_wait3A_85 : memref<128x128xf32, #tpu.memory_space<vmem>>) dst(%dma_wait3A_81 : memref<128x128xf32, #tpu.memory_space<hbm>>)
    %add3A_86 = arith.constant 4864 : i32
    %add3A_87 = arith.addi %mul3A_2, %add3A_86 : i32
    %dma_wait3A_88 = arith.constant 2 : i32
    %dma_wait3A_89 = arith.constant 0 : i32
    %dma_wait3A_90 = arith.constant 0 : i32
    %dma_wait3A_91 = tpu.memref_slice %arg6[%dma_wait3A_88, %dma_wait3A_89, %dma_wait3A_90] : memref<4x128x128xf32, #tpu.memory_space<vmem>> -> memref<1x128x128xf32, #tpu.memory_space<vmem>>
    %dma_wait3A_92 = tpu.memref_squeeze %dma_wait3A_91 : memref<1x128x128xf32, #tpu.memory_space<vmem>> -> memref<128x128xf32, #tpu.memory_space<vmem>>
    %dma_wait3A_93 = arith.constant 0 : i32
    %dma_wait3A_94 = tpu.memref_slice %arg4[%add3A_87, %dma_wait3A_93] : memref<163840x128xf32, #tpu.memory_space<hbm>> -> memref<128x128xf32, #tpu.memory_space<hbm>>
    %dma_wait3A_95 = arith.constant 0 : i32
    %dma_wait3A_96 = tpu.memref_slice %arg4[%add3A_87, %dma_wait3A_95] : memref<163840x128xf32, #tpu.memory_space<hbm>> -> memref<128x128xf32, #tpu.memory_space<hbm>>
    %dma_wait3A_97 = arith.constant 0 : i32
    %dma_wait3A_98 = arith.constant 0 : i32
    %dma_wait3A_99 = tpu.memref_slice %arg6[%dma_wait3A_88, %dma_wait3A_97, %dma_wait3A_98] : memref<4x128x128xf32, #tpu.memory_space<vmem>> -> memref<1x128x128xf32, #tpu.memory_space<vmem>>
    %dma_wait3A_100 = tpu.memref_squeeze %dma_wait3A_99 : memref<1x128x128xf32, #tpu.memory_space<vmem>> -> memref<128x128xf32, #tpu.memory_space<vmem>>
    tpu.wait_dma2 semaphore(%arg13 : memref<!tpu.dma_semaphore, #tpu.memory_space<semaphore_mem>>) src(%dma_wait3A_100 : memref<128x128xf32, #tpu.memory_space<vmem>>) dst(%dma_wait3A_96 : memref<128x128xf32, #tpu.memory_space<hbm>>)
    %add3A_101 = arith.constant 4992 : i32
    %add3A_102 = arith.addi %mul3A_2, %add3A_101 : i32
    %dma_wait3A_103 = arith.constant 3 : i32
    %dma_wait3A_104 = arith.constant 0 : i32
    %dma_wait3A_105 = arith.constant 0 : i32
    %dma_wait3A_106 = tpu.memref_slice %arg6[%dma_wait3A_103, %dma_wait3A_104, %dma_wait3A_105] : memref<4x128x128xf32, #tpu.memory_space<vmem>> -> memref<1x128x128xf32, #tpu.memory_space<vmem>>
    %dma_wait3A_107 = tpu.memref_squeeze %dma_wait3A_106 : memref<1x128x128xf32, #tpu.memory_space<vmem>> -> memref<128x128xf32, #tpu.memory_space<vmem>>
    %dma_wait3A_108 = arith.constant 0 : i32
    %dma_wait3A_109 = tpu.memref_slice %arg4[%add3A_102, %dma_wait3A_108] : memref<163840x128xf32, #tpu.memory_space<hbm>> -> memref<128x128xf32, #tpu.memory_space<hbm>>
    %dma_wait3A_110 = arith.constant 0 : i32
    %dma_wait3A_111 = tpu.memref_slice %arg4[%add3A_102, %dma_wait3A_110] : memref<163840x128xf32, #tpu.memory_space<hbm>> -> memref<128x128xf32, #tpu.memory_space<hbm>>
    %dma_wait3A_112 = arith.constant 0 : i32
    %dma_wait3A_113 = arith.constant 0 : i32
    %dma_wait3A_114 = tpu.memref_slice %arg6[%dma_wait3A_103, %dma_wait3A_112, %dma_wait3A_113] : memref<4x128x128xf32, #tpu.memory_space<vmem>> -> memref<1x128x128xf32, #tpu.memory_space<vmem>>
    %dma_wait3A_115 = tpu.memref_squeeze %dma_wait3A_114 : memref<1x128x128xf32, #tpu.memory_space<vmem>> -> memref<128x128xf32, #tpu.memory_space<vmem>>
    tpu.wait_dma2 semaphore(%arg14 : memref<!tpu.dma_semaphore, #tpu.memory_space<semaphore_mem>>) src(%dma_wait3A_115 : memref<128x128xf32, #tpu.memory_space<vmem>>) dst(%dma_wait3A_111 : memref<128x128xf32, #tpu.memory_space<hbm>>)
    return
  }
}

module attributes {stable_mosaic.version = 14 : i64} {
  func.func @_table_mm_kernel(%arg0: i32, %arg1: i32, %arg2: memref<512x256xf32, #tpu.memory_space<vmem>>, %arg3: memref<1x256x128xf32, #tpu.memory_space<vmem>>, %arg4: memref<1x512x128xf32, #tpu.memory_space<vmem>>) attributes {dimension_semantics = [#tpu.dimension_semantics<arbitrary>, #tpu.dimension_semantics<arbitrary>], iteration_bounds = array<i64: 4, 133>, scalar_prefetch = 0 : i64, scratch_operands = 0 : i64, tpu.core_type = #tpu.core_type<tc>, window_params = [{transform_indices = @transform_0, window_bounds = array<i64: 512, 256>}, {transform_indices = @transform_1, window_bounds = array<i64: 1, 256, 128>}, {transform_indices = @transform_2, window_bounds = array<i64: 1, 512, 128>}]} {
    %get3A = arith.constant 0 : index
    %get3A_0 = arith.constant 0 : index
    %get3A_1 = vector.load %arg2[%get3A, %get3A_0] : memref<512x256xf32, #tpu.memory_space<vmem>>, vector<512x256xf32>
    %get3A_2 = arith.constant 0 : index
    %get3A_3 = arith.constant 0 : index
    %get3A_4 = arith.constant 0 : index
    %get3A_5 = vector.load %arg3[%get3A_2, %get3A_3, %get3A_4] : memref<1x256x128xf32, #tpu.memory_space<vmem>>, vector<1x256x128xf32>
    %get3A_6 = vector.shape_cast %get3A_5 : vector<1x256x128xf32> to vector<256x128xf32>
    %dot_general3A = arith.constant dense<0.000000e+00> : vector<512x128xf32>
    %dot_general3A_7 = tpu.matmul %get3A_1, %get3A_6, %dot_general3A {dimension_numbers = #tpu.dot_dimension_numbers<[1], [0], [0], [1], [0, 0, 1, 1], [], []>, transpose_lhs_hint = false} : vector<512x256xf32>, vector<256x128xf32>, vector<512x128xf32> -> vector<512x128xf32>
    %swap3A = arith.constant 0 : index
    %swap3A_8 = arith.constant 0 : index
    %swap3A_9 = arith.constant 0 : index
    %swap3A_10 = vector.load %arg4[%swap3A, %swap3A_8, %swap3A_9] : memref<1x512x128xf32, #tpu.memory_space<vmem>>, vector<1x512x128xf32>
    %swap3A_11 = vector.shape_cast %swap3A_10 : vector<1x512x128xf32> to vector<512x128xf32>
    %swap3A_12 = vector.shape_cast %dot_general3A_7 : vector<512x128xf32> to vector<1x512x128xf32>
    tpu.vector_store %arg4[%swap3A, %swap3A_8, %swap3A_9], %swap3A_12 {strides = array<i32>} : memref<1x512x128xf32, #tpu.memory_space<vmem>>, vector<1x512x128xf32>,
    return
  }
  func.func @transform_0(%arg0: i32, %arg1: i32) -> (i32, i32) {
    %c0_i32 = arith.constant 0 : i32
    %c0_i32_0 = arith.constant 0 : i32
    return %arg1, %c0_i32 : i32, i32
  }
  func.func @transform_1(%arg0: i32, %arg1: i32) -> (i32, i32, i32) {
    %c0_i32 = arith.constant 0 : i32
    %c0_i32_0 = arith.constant 0 : i32
    %c0_i32_1 = arith.constant 0 : i32
    return %arg0, %c0_i32, %c0_i32_0 : i32, i32, i32
  }
  func.func @transform_2(%arg0: i32, %arg1: i32) -> (i32, i32, i32) {
    %c0_i32 = arith.constant 0 : i32
    %c0_i32_0 = arith.constant 0 : i32
    return %arg0, %arg1, %c0_i32 : i32, i32, i32
  }
}

module attributes {stable_mosaic.version = 14 : i64} {
  func.func @_index_kernel(%arg0: i32, %arg1: memref<18x4xf32, #tpu.memory_space<vmem>>, %arg2: memref<3x160000xf32, #tpu.memory_space<vmem>>, %arg3: memref<1x160000xi32, #tpu.memory_space<vmem>>) attributes {dimension_semantics = [#tpu.dimension_semantics<arbitrary>], iteration_bounds = array<i64: 1>, scalar_prefetch = 0 : i64, scratch_operands = 0 : i64, tpu.core_type = #tpu.core_type<tc>, window_params = [{pipeline_mode = #tpu.pipeline_mode<synchronous>, transform_indices = @transform_0, window_bounds = array<i64: 18, 4>}, {pipeline_mode = #tpu.pipeline_mode<synchronous>, transform_indices = @transform_1, window_bounds = array<i64: 3, 160000>}, {pipeline_mode = #tpu.pipeline_mode<synchronous>, transform_indices = @transform_2, window_bounds = array<i64: 1, 160000>}]} {
    %get3A = arith.constant 0 : index
    %get3A_0 = arith.constant 0 : index
    %get3A_1 = vector.load %arg2[%get3A, %get3A_0] : memref<3x160000xf32, #tpu.memory_space<vmem>>, vector<3x160000xf32>
    %broadcast_in_dim3A = arith.constant 1.000000e+00 : f32
    %broadcast_in_dim3A_2 = vector.broadcast %broadcast_in_dim3A : f32 to vector<1x160000xf32>
    %concatenate3A = tpu.concatenate %get3A_1, %broadcast_in_dim3A_2 in 0 : vector<3x160000xf32>, vector<1x160000xf32> -> vector<4x160000xf32>
    %get3A_3 = arith.constant 0 : index
    %get3A_4 = arith.constant 0 : index
    %get3A_5 = vector.load %arg1[%get3A_3, %get3A_4] : memref<18x4xf32, #tpu.memory_space<vmem>>, vector<18x4xf32>
    %dot_general3A = arith.constant dense<0.000000e+00> : vector<18x160000xf32>
    %dot_general3A_6 = tpu.matmul %get3A_5, %concatenate3A, %dot_general3A {dimension_numbers = #tpu.dot_dimension_numbers<[1], [0], [0], [1], [0, 0, 1, 1], [], []>, transpose_lhs_hint = false} : vector<18x4xf32>, vector<4x160000xf32>, vector<18x160000xf32> -> vector<18x160000xf32>
    %broadcast_in_dim3A_7 = arith.constant 6.758400e+04 : f32
    %broadcast_in_dim3A_8 = vector.broadcast %broadcast_in_dim3A_7 : f32 to vector<1x160000xf32>
    %slice3A = vector.extract_strided_slice %dot_general3A_6 {offsets = [0, 0], sizes = [1, 160000], strides = [1, 1]} : vector<18x160000xf32> to vector<1x160000xf32>
    %slice3A_9 = vector.extract_strided_slice %dot_general3A_6 {offsets = [1, 0], sizes = [1, 160000], strides = [1, 1]} : vector<18x160000xf32> to vector<1x160000xf32>
    %slice3A_10 = vector.extract_strided_slice %dot_general3A_6 {offsets = [2, 0], sizes = [1, 160000], strides = [1, 1]} : vector<18x160000xf32> to vector<1x160000xf32>
    %div3A = arith.divf %slice3A, %slice3A_10 : vector<1x160000xf32>
    %div3A_11 = arith.constant 4.000000e+00 : f32
    %div3A_12 = vector.broadcast %div3A_11 : f32 to vector<1x160000xf32>
    %div3A_13 = arith.divf %div3A, %div3A_12 : vector<1x160000xf32>
    %round3A = math.roundeven %div3A_13 : vector<1x160000xf32>
    %div3A_14 = arith.divf %slice3A_9, %slice3A_10 : vector<1x160000xf32>
    %div3A_15 = arith.constant 4.000000e+00 : f32
    %div3A_16 = vector.broadcast %div3A_15 : f32 to vector<1x160000xf32>
    %div3A_17 = arith.divf %div3A_14, %div3A_16 : vector<1x160000xf32>
    %round3A_18 = math.roundeven %div3A_17 : vector<1x160000xf32>
    %ge3A = arith.constant 0.000000e+00 : f32
    %ge3A_19 = vector.broadcast %ge3A : f32 to vector<1x160000xf32>
    %ge3A_20 = arith.cmpf oge, %round3A, %ge3A_19 : vector<1x160000xf32>
    %ge3A_21 = arith.constant 0.000000e+00 : f32
    %ge3A_22 = vector.broadcast %ge3A_21 : f32 to vector<1x160000xf32>
    %ge3A_23 = arith.cmpf oge, %round3A_18, %ge3A_22 : vector<1x160000xf32>
    %and3A = arith.andi %ge3A_20, %ge3A_23 : vector<1x160000xi1>
    %lt3A = arith.constant 1.760000e+02 : f32
    %lt3A_24 = vector.broadcast %lt3A : f32 to vector<1x160000xf32>
    %lt3A_25 = arith.cmpf olt, %round3A, %lt3A_24 : vector<1x160000xf32>
    %and3A_26 = arith.andi %and3A, %lt3A_25 : vector<1x160000xi1>
    %lt3A_27 = arith.constant 6.400000e+01 : f32
    %lt3A_28 = vector.broadcast %lt3A_27 : f32 to vector<1x160000xf32>
    %lt3A_29 = arith.cmpf olt, %round3A_18, %lt3A_28 : vector<1x160000xf32>
    %and3A_30 = arith.andi %and3A_26, %lt3A_29 : vector<1x160000xi1>
    %gt3A = arith.constant 0.000000e+00 : f32
    %gt3A_31 = vector.broadcast %gt3A : f32 to vector<1x160000xf32>
    %gt3A_32 = arith.cmpf ogt, %slice3A_10, %gt3A_31 : vector<1x160000xf32>
    %and3A_33 = arith.andi %and3A_30, %gt3A_32 : vector<1x160000xi1>
    %mul3A = arith.constant 1.760000e+02 : f32
    %mul3A_34 = vector.broadcast %mul3A : f32 to vector<1x160000xf32>
    %mul3A_35 = arith.mulf %mul3A_34, %round3A_18 : vector<1x160000xf32>
    %add3A = arith.constant 0.000000e+00 : f32
    %add3A_36 = vector.broadcast %add3A : f32 to vector<1x160000xf32>
    %add3A_37 = arith.addf %add3A_36, %mul3A_35 : vector<1x160000xf32>
    %add3A_38 = arith.addf %add3A_37, %round3A : vector<1x160000xf32>
    %select_n3A = arith.select %and3A_33, %add3A_38, %broadcast_in_dim3A_8 : vector<1x160000xi1>, vector<1x160000xf32>
    %slice3A_39 = vector.extract_strided_slice %dot_general3A_6 {offsets = [3, 0], sizes = [1, 160000], strides = [1, 1]} : vector<18x160000xf32> to vector<1x160000xf32>
    %slice3A_40 = vector.extract_strided_slice %dot_general3A_6 {offsets = [4, 0], sizes = [1, 160000], strides = [1, 1]} : vector<18x160000xf32> to vector<1x160000xf32>
    %slice3A_41 = vector.extract_strided_slice %dot_general3A_6 {offsets = [5, 0], sizes = [1, 160000], strides = [1, 1]} : vector<18x160000xf32> to vector<1x160000xf32>
    %div3A_42 = arith.divf %slice3A_39, %slice3A_41 : vector<1x160000xf32>
    %div3A_43 = arith.constant 4.000000e+00 : f32
    %div3A_44 = vector.broadcast %div3A_43 : f32 to vector<1x160000xf32>
    %div3A_45 = arith.divf %div3A_42, %div3A_44 : vector<1x160000xf32>
    %round3A_46 = math.roundeven %div3A_45 : vector<1x160000xf32>
    %div3A_47 = arith.divf %slice3A_40, %slice3A_41 : vector<1x160000xf32>
    %div3A_48 = arith.constant 4.000000e+00 : f32
    %div3A_49 = vector.broadcast %div3A_48 : f32 to vector<1x160000xf32>
    %div3A_50 = arith.divf %div3A_47, %div3A_49 : vector<1x160000xf32>
    %round3A_51 = math.roundeven %div3A_50 : vector<1x160000xf32>
    %ge3A_52 = arith.constant 0.000000e+00 : f32
    %ge3A_53 = vector.broadcast %ge3A_52 : f32 to vector<1x160000xf32>
    %ge3A_54 = arith.cmpf oge, %round3A_46, %ge3A_53 : vector<1x160000xf32>
    %ge3A_55 = arith.constant 0.000000e+00 : f32
    %ge3A_56 = vector.broadcast %ge3A_55 : f32 to vector<1x160000xf32>
    %ge3A_57 = arith.cmpf oge, %round3A_51, %ge3A_56 : vector<1x160000xf32>
    %and3A_58 = arith.andi %ge3A_54, %ge3A_57 : vector<1x160000xi1>
    %lt3A_59 = arith.constant 1.760000e+02 : f32
    %lt3A_60 = vector.broadcast %lt3A_59 : f32 to vector<1x160000xf32>
    %lt3A_61 = arith.cmpf olt, %round3A_46, %lt3A_60 : vector<1x160000xf32>
    %and3A_62 = arith.andi %and3A_58, %lt3A_61 : vector<1x160000xi1>
    %lt3A_63 = arith.constant 6.400000e+01 : f32
    %lt3A_64 = vector.broadcast %lt3A_63 : f32 to vector<1x160000xf32>
    %lt3A_65 = arith.cmpf olt, %round3A_51, %lt3A_64 : vector<1x160000xf32>
    %and3A_66 = arith.andi %and3A_62, %lt3A_65 : vector<1x160000xi1>
    %gt3A_67 = arith.constant 0.000000e+00 : f32
    %gt3A_68 = vector.broadcast %gt3A_67 : f32 to vector<1x160000xf32>
    %gt3A_69 = arith.cmpf ogt, %slice3A_41, %gt3A_68 : vector<1x160000xf32>
    %and3A_70 = arith.andi %and3A_66, %gt3A_69 : vector<1x160000xi1>
    %mul3A_71 = arith.constant 1.760000e+02 : f32
    %mul3A_72 = vector.broadcast %mul3A_71 : f32 to vector<1x160000xf32>
    %mul3A_73 = arith.mulf %mul3A_72, %round3A_51 : vector<1x160000xf32>
    %add3A_74 = arith.constant 1.126400e+04 : f32
    %add3A_75 = vector.broadcast %add3A_74 : f32 to vector<1x160000xf32>
    %add3A_76 = arith.addf %add3A_75, %mul3A_73 : vector<1x160000xf32>
    %add3A_77 = arith.addf %add3A_76, %round3A_46 : vector<1x160000xf32>
    %select_n3A_78 = arith.select %and3A_70, %add3A_77, %select_n3A : vector<1x160000xi1>, vector<1x160000xf32>
    %slice3A_79 = vector.extract_strided_slice %dot_general3A_6 {offsets = [6, 0], sizes = [1, 160000], strides = [1, 1]} : vector<18x160000xf32> to vector<1x160000xf32>
    %slice3A_80 = vector.extract_strided_slice %dot_general3A_6 {offsets = [7, 0], sizes = [1, 160000], strides = [1, 1]} : vector<18x160000xf32> to vector<1x160000xf32>
    %slice3A_81 = vector.extract_strided_slice %dot_general3A_6 {offsets = [8, 0], sizes = [1, 160000], strides = [1, 1]} : vector<18x160000xf32> to vector<1x160000xf32>
    %div3A_82 = arith.divf %slice3A_79, %slice3A_81 : vector<1x160000xf32>
    %div3A_83 = arith.constant 4.000000e+00 : f32
    %div3A_84 = vector.broadcast %div3A_83 : f32 to vector<1x160000xf32>
    %div3A_85 = arith.divf %div3A_82, %div3A_84 : vector<1x160000xf32>
    %round3A_86 = math.roundeven %div3A_85 : vector<1x160000xf32>
    %div3A_87 = arith.divf %slice3A_80, %slice3A_81 : vector<1x160000xf32>
    %div3A_88 = arith.constant 4.000000e+00 : f32
    %div3A_89 = vector.broadcast %div3A_88 : f32 to vector<1x160000xf32>
    %div3A_90 = arith.divf %div3A_87, %div3A_89 : vector<1x160000xf32>
    %round3A_91 = math.roundeven %div3A_90 : vector<1x160000xf32>
    %ge3A_92 = arith.constant 0.000000e+00 : f32
    %ge3A_93 = vector.broadcast %ge3A_92 : f32 to vector<1x160000xf32>
    %ge3A_94 = arith.cmpf oge, %round3A_86, %ge3A_93 : vector<1x160000xf32>
    %ge3A_95 = arith.constant 0.000000e+00 : f32
    %ge3A_96 = vector.broadcast %ge3A_95 : f32 to vector<1x160000xf32>
    %ge3A_97 = arith.cmpf oge, %round3A_91, %ge3A_96 : vector<1x160000xf32>
    %and3A_98 = arith.andi %ge3A_94, %ge3A_97 : vector<1x160000xi1>
    %lt3A_99 = arith.constant 1.760000e+02 : f32
    %lt3A_100 = vector.broadcast %lt3A_99 : f32 to vector<1x160000xf32>
    %lt3A_101 = arith.cmpf olt, %round3A_86, %lt3A_100 : vector<1x160000xf32>
    %and3A_102 = arith.andi %and3A_98, %lt3A_101 : vector<1x160000xi1>
    %lt3A_103 = arith.constant 6.400000e+01 : f32
    %lt3A_104 = vector.broadcast %lt3A_103 : f32 to vector<1x160000xf32>
    %lt3A_105 = arith.cmpf olt, %round3A_91, %lt3A_104 : vector<1x160000xf32>
    %and3A_106 = arith.andi %and3A_102, %lt3A_105 : vector<1x160000xi1>
    %gt3A_107 = arith.constant 0.000000e+00 : f32
    %gt3A_108 = vector.broadcast %gt3A_107 : f32 to vector<1x160000xf32>
    %gt3A_109 = arith.cmpf ogt, %slice3A_81, %gt3A_108 : vector<1x160000xf32>
    %and3A_110 = arith.andi %and3A_106, %gt3A_109 : vector<1x160000xi1>
    %mul3A_111 = arith.constant 1.760000e+02 : f32
    %mul3A_112 = vector.broadcast %mul3A_111 : f32 to vector<1x160000xf32>
    %mul3A_113 = arith.mulf %mul3A_112, %round3A_91 : vector<1x160000xf32>
    %add3A_114 = arith.constant 2.252800e+04 : f32
    %add3A_115 = vector.broadcast %add3A_114 : f32 to vector<1x160000xf32>
    %add3A_116 = arith.addf %add3A_115, %mul3A_113 : vector<1x160000xf32>
    %add3A_117 = arith.addf %add3A_116, %round3A_86 : vector<1x160000xf32>
    %select_n3A_118 = arith.select %and3A_110, %add3A_117, %select_n3A_78 : vector<1x160000xi1>, vector<1x160000xf32>
    %slice3A_119 = vector.extract_strided_slice %dot_general3A_6 {offsets = [9, 0], sizes = [1, 160000], strides = [1, 1]} : vector<18x160000xf32> to vector<1x160000xf32>
    %slice3A_120 = vector.extract_strided_slice %dot_general3A_6 {offsets = [10, 0], sizes = [1, 160000], strides = [1, 1]} : vector<18x160000xf32> to vector<1x160000xf32>
    %slice3A_121 = vector.extract_strided_slice %dot_general3A_6 {offsets = [11, 0], sizes = [1, 160000], strides = [1, 1]} : vector<18x160000xf32> to vector<1x160000xf32>
    %div3A_122 = arith.divf %slice3A_119, %slice3A_121 : vector<1x160000xf32>
    %div3A_123 = arith.constant 4.000000e+00 : f32
    %div3A_124 = vector.broadcast %div3A_123 : f32 to vector<1x160000xf32>
    %div3A_125 = arith.divf %div3A_122, %div3A_124 : vector<1x160000xf32>
    %round3A_126 = math.roundeven %div3A_125 : vector<1x160000xf32>
    %div3A_127 = arith.divf %slice3A_120, %slice3A_121 : vector<1x160000xf32>
    %div3A_128 = arith.constant 4.000000e+00 : f32
    %div3A_129 = vector.broadcast %div3A_128 : f32 to vector<1x160000xf32>
    %div3A_130 = arith.divf %div3A_127, %div3A_129 : vector<1x160000xf32>
    %round3A_131 = math.roundeven %div3A_130 : vector<1x160000xf32>
    %ge3A_132 = arith.constant 0.000000e+00 : f32
    %ge3A_133 = vector.broadcast %ge3A_132 : f32 to vector<1x160000xf32>
    %ge3A_134 = arith.cmpf oge, %round3A_126, %ge3A_133 : vector<1x160000xf32>
    %ge3A_135 = arith.constant 0.000000e+00 : f32
    %ge3A_136 = vector.broadcast %ge3A_135 : f32 to vector<1x160000xf32>
    %ge3A_137 = arith.cmpf oge, %round3A_131, %ge3A_136 : vector<1x160000xf32>
    %and3A_138 = arith.andi %ge3A_134, %ge3A_137 : vector<1x160000xi1>
    %lt3A_139 = arith.constant 1.760000e+02 : f32
    %lt3A_140 = vector.broadcast %lt3A_139 : f32 to vector<1x160000xf32>
    %lt3A_141 = arith.cmpf olt, %round3A_126, %lt3A_140 : vector<1x160000xf32>
    %and3A_142 = arith.andi %and3A_138, %lt3A_141 : vector<1x160000xi1>
    %lt3A_143 = arith.constant 6.400000e+01 : f32
    %lt3A_144 = vector.broadcast %lt3A_143 : f32 to vector<1x160000xf32>
    %lt3A_145 = arith.cmpf olt, %round3A_131, %lt3A_144 : vector<1x160000xf32>
    %and3A_146 = arith.andi %and3A_142, %lt3A_145 : vector<1x160000xi1>
    %gt3A_147 = arith.constant 0.000000e+00 : f32
    %gt3A_148 = vector.broadcast %gt3A_147 : f32 to vector<1x160000xf32>
    %gt3A_149 = arith.cmpf ogt, %slice3A_121, %gt3A_148 : vector<1x160000xf32>
    %and3A_150 = arith.andi %and3A_146, %gt3A_149 : vector<1x160000xi1>
    %mul3A_151 = arith.constant 1.760000e+02 : f32
    %mul3A_152 = vector.broadcast %mul3A_151 : f32 to vector<1x160000xf32>
    %mul3A_153 = arith.mulf %mul3A_152, %round3A_131 : vector<1x160000xf32>
    %add3A_154 = arith.constant 3.379200e+04 : f32
    %add3A_155 = vector.broadcast %add3A_154 : f32 to vector<1x160000xf32>
    %add3A_156 = arith.addf %add3A_155, %mul3A_153 : vector<1x160000xf32>
    %add3A_157 = arith.addf %add3A_156, %round3A_126 : vector<1x160000xf32>
    %select_n3A_158 = arith.select %and3A_150, %add3A_157, %select_n3A_118 : vector<1x160000xi1>, vector<1x160000xf32>
    %slice3A_159 = vector.extract_strided_slice %dot_general3A_6 {offsets = [12, 0], sizes = [1, 160000], strides = [1, 1]} : vector<18x160000xf32> to vector<1x160000xf32>
    %slice3A_160 = vector.extract_strided_slice %dot_general3A_6 {offsets = [13, 0], sizes = [1, 160000], strides = [1, 1]} : vector<18x160000xf32> to vector<1x160000xf32>
    %slice3A_161 = vector.extract_strided_slice %dot_general3A_6 {offsets = [14, 0], sizes = [1, 160000], strides = [1, 1]} : vector<18x160000xf32> to vector<1x160000xf32>
    %div3A_162 = arith.divf %slice3A_159, %slice3A_161 : vector<1x160000xf32>
    %div3A_163 = arith.constant 4.000000e+00 : f32
    %div3A_164 = vector.broadcast %div3A_163 : f32 to vector<1x160000xf32>
    %div3A_165 = arith.divf %div3A_162, %div3A_164 : vector<1x160000xf32>
    %round3A_166 = math.roundeven %div3A_165 : vector<1x160000xf32>
    %div3A_167 = arith.divf %slice3A_160, %slice3A_161 : vector<1x160000xf32>
    %div3A_168 = arith.constant 4.000000e+00 : f32
    %div3A_169 = vector.broadcast %div3A_168 : f32 to vector<1x160000xf32>
    %div3A_170 = arith.divf %div3A_167, %div3A_169 : vector<1x160000xf32>
    %round3A_171 = math.roundeven %div3A_170 : vector<1x160000xf32>
    %ge3A_172 = arith.constant 0.000000e+00 : f32
    %ge3A_173 = vector.broadcast %ge3A_172 : f32 to vector<1x160000xf32>
    %ge3A_174 = arith.cmpf oge, %round3A_166, %ge3A_173 : vector<1x160000xf32>
    %ge3A_175 = arith.constant 0.000000e+00 : f32
    %ge3A_176 = vector.broadcast %ge3A_175 : f32 to vector<1x160000xf32>
    %ge3A_177 = arith.cmpf oge, %round3A_171, %ge3A_176 : vector<1x160000xf32>
    %and3A_178 = arith.andi %ge3A_174, %ge3A_177 : vector<1x160000xi1>
    %lt3A_179 = arith.constant 1.760000e+02 : f32
    %lt3A_180 = vector.broadcast %lt3A_179 : f32 to vector<1x160000xf32>
    %lt3A_181 = arith.cmpf olt, %round3A_166, %lt3A_180 : vector<1x160000xf32>
    %and3A_182 = arith.andi %and3A_178, %lt3A_181 : vector<1x160000xi1>
    %lt3A_183 = arith.constant 6.400000e+01 : f32
    %lt3A_184 = vector.broadcast %lt3A_183 : f32 to vector<1x160000xf32>
    %lt3A_185 = arith.cmpf olt, %round3A_171, %lt3A_184 : vector<1x160000xf32>
    %and3A_186 = arith.andi %and3A_182, %lt3A_185 : vector<1x160000xi1>
    %gt3A_187 = arith.constant 0.000000e+00 : f32
    %gt3A_188 = vector.broadcast %gt3A_187 : f32 to vector<1x160000xf32>
    %gt3A_189 = arith.cmpf ogt, %slice3A_161, %gt3A_188 : vector<1x160000xf32>
    %and3A_190 = arith.andi %and3A_186, %gt3A_189 : vector<1x160000xi1>
    %mul3A_191 = arith.constant 1.760000e+02 : f32
    %mul3A_192 = vector.broadcast %mul3A_191 : f32 to vector<1x160000xf32>
    %mul3A_193 = arith.mulf %mul3A_192, %round3A_171 : vector<1x160000xf32>
    %add3A_194 = arith.constant 4.505600e+04 : f32
    %add3A_195 = vector.broadcast %add3A_194 : f32 to vector<1x160000xf32>
    %add3A_196 = arith.addf %add3A_195, %mul3A_193 : vector<1x160000xf32>
    %add3A_197 = arith.addf %add3A_196, %round3A_166 : vector<1x160000xf32>
    %select_n3A_198 = arith.select %and3A_190, %add3A_197, %select_n3A_158 : vector<1x160000xi1>, vector<1x160000xf32>
    %slice3A_199 = vector.extract_strided_slice %dot_general3A_6 {offsets = [15, 0], sizes = [1, 160000], strides = [1, 1]} : vector<18x160000xf32> to vector<1x160000xf32>
    %slice3A_200 = vector.extract_strided_slice %dot_general3A_6 {offsets = [16, 0], sizes = [1, 160000], strides = [1, 1]} : vector<18x160000xf32> to vector<1x160000xf32>
    %slice3A_201 = vector.extract_strided_slice %dot_general3A_6 {offsets = [17, 0], sizes = [1, 160000], strides = [1, 1]} : vector<18x160000xf32> to vector<1x160000xf32>
    %div3A_202 = arith.divf %slice3A_199, %slice3A_201 : vector<1x160000xf32>
    %div3A_203 = arith.constant 4.000000e+00 : f32
    %div3A_204 = vector.broadcast %div3A_203 : f32 to vector<1x160000xf32>
    %div3A_205 = arith.divf %div3A_202, %div3A_204 : vector<1x160000xf32>
    %round3A_206 = math.roundeven %div3A_205 : vector<1x160000xf32>
    %div3A_207 = arith.divf %slice3A_200, %slice3A_201 : vector<1x160000xf32>
    %div3A_208 = arith.constant 4.000000e+00 : f32
    %div3A_209 = vector.broadcast %div3A_208 : f32 to vector<1x160000xf32>
    %div3A_210 = arith.divf %div3A_207, %div3A_209 : vector<1x160000xf32>
    %round3A_211 = math.roundeven %div3A_210 : vector<1x160000xf32>
    %ge3A_212 = arith.constant 0.000000e+00 : f32
    %ge3A_213 = vector.broadcast %ge3A_212 : f32 to vector<1x160000xf32>
    %ge3A_214 = arith.cmpf oge, %round3A_206, %ge3A_213 : vector<1x160000xf32>
    %ge3A_215 = arith.constant 0.000000e+00 : f32
    %ge3A_216 = vector.broadcast %ge3A_215 : f32 to vector<1x160000xf32>
    %ge3A_217 = arith.cmpf oge, %round3A_211, %ge3A_216 : vector<1x160000xf32>
    %and3A_218 = arith.andi %ge3A_214, %ge3A_217 : vector<1x160000xi1>
    %lt3A_219 = arith.constant 1.760000e+02 : f32
    %lt3A_220 = vector.broadcast %lt3A_219 : f32 to vector<1x160000xf32>
    %lt3A_221 = arith.cmpf olt, %round3A_206, %lt3A_220 : vector<1x160000xf32>
    %and3A_222 = arith.andi %and3A_218, %lt3A_221 : vector<1x160000xi1>
    %lt3A_223 = arith.constant 6.400000e+01 : f32
    %lt3A_224 = vector.broadcast %lt3A_223 : f32 to vector<1x160000xf32>
    %lt3A_225 = arith.cmpf olt, %round3A_211, %lt3A_224 : vector<1x160000xf32>
    %and3A_226 = arith.andi %and3A_222, %lt3A_225 : vector<1x160000xi1>
    %gt3A_227 = arith.constant 0.000000e+00 : f32
    %gt3A_228 = vector.broadcast %gt3A_227 : f32 to vector<1x160000xf32>
    %gt3A_229 = arith.cmpf ogt, %slice3A_201, %gt3A_228 : vector<1x160000xf32>
    %and3A_230 = arith.andi %and3A_226, %gt3A_229 : vector<1x160000xi1>
    %mul3A_231 = arith.constant 1.760000e+02 : f32
    %mul3A_232 = vector.broadcast %mul3A_231 : f32 to vector<1x160000xf32>
    %mul3A_233 = arith.mulf %mul3A_232, %round3A_211 : vector<1x160000xf32>
    %add3A_234 = arith.constant 5.632000e+04 : f32
    %add3A_235 = vector.broadcast %add3A_234 : f32 to vector<1x160000xf32>
    %add3A_236 = arith.addf %add3A_235, %mul3A_233 : vector<1x160000xf32>
    %add3A_237 = arith.addf %add3A_236, %round3A_206 : vector<1x160000xf32>
    %select_n3A_238 = arith.select %and3A_230, %add3A_237, %select_n3A_198 : vector<1x160000xi1>, vector<1x160000xf32>
    %iota3A = tpu.iota {dimensions = array<i32: 1>} : vector<1x160000xi32>
    %and3A_239 = arith.constant 3 : i32
    %and3A_240 = vector.broadcast %and3A_239 : i32 to vector<1x160000xi32>
    %and3A_241 = arith.andi %iota3A, %and3A_240 : vector<1x160000xi32>
    %convert_element_type3A = arith.fptosi %select_n3A_238 : vector<1x160000xf32> to vector<1x160000xi32>
    %mul3A_242 = arith.constant 68096 : i32
    %mul3A_243 = vector.broadcast %mul3A_242 : i32 to vector<1x160000xi32>
    %mul3A_244 = arith.muli %and3A_241, %mul3A_243 : vector<1x160000xi32>
    %add3A_245 = arith.addi %convert_element_type3A, %mul3A_244 : vector<1x160000xi32>
    %swap3A = arith.constant 0 : index
    %swap3A_246 = arith.constant 0 : index
    %swap3A_247 = vector.load %arg3[%swap3A, %swap3A_246] : memref<1x160000xi32, #tpu.memory_space<vmem>>, vector<1x160000xi32>
    tpu.vector_store %arg3[%swap3A, %swap3A_246], %add3A_245 {strides = array<i32>} : memref<1x160000xi32, #tpu.memory_space<vmem>>, vector<1x160000xi32>,
    return
  }
  func.func @transform_0(%arg0: i32) -> (i32, i32) {
    %c0_i32 = arith.constant 0 : i32
    %c0_i32_0 = arith.constant 0 : i32
    %c0_i32_1 = arith.constant 0 : i32
    return %c0_i32, %c0_i32_0 : i32, i32
  }
  func.func @transform_1(%arg0: i32) -> (i32, i32) {
    %c0_i32 = arith.constant 0 : i32
    %c0_i32_0 = arith.constant 0 : i32
    %c0_i32_1 = arith.constant 0 : i32
    return %c0_i32, %c0_i32_0 : i32, i32
  }
  func.func @transform_2(%arg0: i32) -> (i32, i32) {
    %c0_i32 = arith.constant 0 : i32
    %c0_i32_0 = arith.constant 0 : i32
    %c0_i32_1 = arith.constant 0 : i32
    return %c0_i32, %c0_i32_0 : i32, i32
  }
}

module attributes {stable_mosaic.version = 14 : i64} {
  func.func @_sumz_kernel(%arg0: i32, %arg1: memref<4000x128xf32, #tpu.memory_space<vmem>>, %arg2: memref<1000x128xf32, #tpu.memory_space<vmem>>, %arg3: memref<2x128xf32, #tpu.memory_space<vmem>>) attributes {dimension_semantics = [#tpu.dimension_semantics<arbitrary>], iteration_bounds = array<i64: 40>, scalar_prefetch = 0 : i64, scratch_operands = 0 : i64, tpu.core_type = #tpu.core_type<tc>, window_params = [{transform_indices = @transform_0, window_bounds = array<i64: 4000, 128>}, {transform_indices = @transform_1, window_bounds = array<i64: 1000, 128>}, {pipeline_mode = #tpu.pipeline_mode<synchronous>, transform_indices = @transform_2, window_bounds = array<i64: 2, 128>}]} {
    %get3A = arith.constant 0 : index
    %get3A_0 = arith.constant 0 : index
    %get3A_1 = vector.load %arg1[%get3A, %get3A_0] : memref<4000x128xf32, #tpu.memory_space<vmem>>, vector<4000x128xf32>
    %reshape3A = vector.shape_cast %get3A_1 : vector<4000x128xf32> to vector<1000x4x128xf32>
    %reduce_sum3A = arith.constant dense<0.000000e+00> : vector<1000x128xf32>
    %reduce_sum3A_2 = vector.multi_reduction <add>, %reshape3A, %reduce_sum3A [1] : vector<1000x4x128xf32> to vector<1000x128xf32>
    %swap3A = arith.constant 0 : index
    %swap3A_3 = arith.constant 0 : index
    %swap3A_4 = vector.load %arg2[%swap3A, %swap3A_3] : memref<1000x128xf32, #tpu.memory_space<vmem>>, vector<1000x128xf32>
    tpu.vector_store %arg2[%swap3A, %swap3A_3], %reduce_sum3A_2 {strides = array<i32>} : memref<1000x128xf32, #tpu.memory_space<vmem>>, vector<1000x128xf32>,
    %reduce_sum3A_5 = arith.constant dense<0.000000e+00> : vector<128xf32>
    %reduce_sum3A_6 = vector.multi_reduction <add>, %reduce_sum3A_2, %reduce_sum3A_5 [0] : vector<1000x128xf32> to vector<128xf32>
    %broadcast_in_dim3A = vector.shape_cast %reduce_sum3A_6 : vector<128xf32> to vector<1x128xf32>
    %mul3A = arith.mulf %reduce_sum3A_2, %reduce_sum3A_2 : vector<1000x128xf32>
    %reduce_sum3A_7 = arith.constant dense<0.000000e+00> : vector<128xf32>
    %reduce_sum3A_8 = vector.multi_reduction <add>, %mul3A, %reduce_sum3A_7 [0] : vector<1000x128xf32> to vector<128xf32>
    %broadcast_in_dim3A_9 = vector.shape_cast %reduce_sum3A_8 : vector<128xf32> to vector<1x128xf32>
    %eq3A = arith.constant 0 : i32
    %eq3A_10 = arith.cmpi eq, %arg0, %eq3A : i32
    %convert_element_type3A = arith.extui %eq3A_10 : i1 to i32
    %cond3A = arith.constant 0 : i32
    %cond3A_11 = arith.cmpi ne, %convert_element_type3A, %cond3A : i32
    scf.if %cond3A_11 {
      %broadcast_in_dim3A_18 = arith.constant 0.000000e+00 : f32
      %broadcast_in_dim3A_19 = vector.broadcast %broadcast_in_dim3A_18 : f32 to vector<2x128xf32>
      %swap3A_20 = arith.constant 0 : index
      %swap3A_21 = arith.constant 0 : index
      %swap3A_22 = vector.load %arg3[%swap3A_20, %swap3A_21] : memref<2x128xf32, #tpu.memory_space<vmem>>, vector<2x128xf32>
      tpu.vector_store %arg3[%swap3A_20, %swap3A_21], %broadcast_in_dim3A_19 {strides = array<i32>} : memref<2x128xf32, #tpu.memory_space<vmem>>, vector<2x128xf32>,
    } else {
    }
    %get3A_12 = arith.constant 0 : index
    %get3A_13 = arith.constant 0 : index
    %get3A_14 = vector.load %arg3[%get3A_12, %get3A_13] : memref<2x128xf32, #tpu.memory_space<vmem>>, vector<2x128xf32>
    %concatenate3A = tpu.concatenate %broadcast_in_dim3A, %broadcast_in_dim3A_9 in 0 : vector<1x128xf32>, vector<1x128xf32> -> vector<2x128xf32>
    %add3A = arith.addf %get3A_14, %concatenate3A : vector<2x128xf32>
    %swap3A_15 = arith.constant 0 : index
    %swap3A_16 = arith.constant 0 : index
    %swap3A_17 = vector.load %arg3[%swap3A_15, %swap3A_16] : memref<2x128xf32, #tpu.memory_space<vmem>>, vector<2x128xf32>
    tpu.vector_store %arg3[%swap3A_15, %swap3A_16], %add3A {strides = array<i32>} : memref<2x128xf32, #tpu.memory_space<vmem>>, vector<2x128xf32>,
    return
  }
  func.func @transform_0(%arg0: i32) -> (i32, i32) {
    %c0_i32 = arith.constant 0 : i32
    %c0_i32_0 = arith.constant 0 : i32
    return %arg0, %c0_i32 : i32, i32
  }
  func.func @transform_1(%arg0: i32) -> (i32, i32) {
    %c0_i32 = arith.constant 0 : i32
    %c0_i32_0 = arith.constant 0 : i32
    return %arg0, %c0_i32 : i32, i32
  }
  func.func @transform_2(%arg0: i32) -> (i32, i32) {
    %c0_i32 = arith.constant 0 : i32
    %c0_i32_0 = arith.constant 0 : i32
    %c0_i32_1 = arith.constant 0 : i32
    return %c0_i32, %c0_i32_0 : i32, i32
  }
}

module attributes {stable_mosaic.version = 14 : i64} {
  func.func @_bn_kernel(%arg0: i32, %arg1: memref<1000x128xf32, #tpu.memory_space<vmem>>, %arg2: memref<2x128xf32, #tpu.memory_space<vmem>>, %arg3: memref<1x128xf32, #tpu.memory_space<vmem>>, %arg4: memref<1x128xf32, #tpu.memory_space<vmem>>, %arg5: memref<1000x128xf32, #tpu.memory_space<vmem>>) attributes {dimension_semantics = [#tpu.dimension_semantics<arbitrary>], iteration_bounds = array<i64: 40>, scalar_prefetch = 0 : i64, scratch_operands = 0 : i64, tpu.core_type = #tpu.core_type<tc>, window_params = [{transform_indices = @transform_0, window_bounds = array<i64: 1000, 128>}, {pipeline_mode = #tpu.pipeline_mode<synchronous>, transform_indices = @transform_1, window_bounds = array<i64: 2, 128>}, {pipeline_mode = #tpu.pipeline_mode<synchronous>, transform_indices = @transform_2, window_bounds = array<i64: 1, 128>}, {pipeline_mode = #tpu.pipeline_mode<synchronous>, transform_indices = @transform_3, window_bounds = array<i64: 1, 128>}, {transform_indices = @transform_4, window_bounds = array<i64: 1000, 128>}]} {
    %get3A = arith.constant 0 : index
    %get3A_0 = arith.constant 0 : index
    %get3A_1 = vector.load %arg2[%get3A, %get3A_0] : memref<2x128xf32, #tpu.memory_space<vmem>>, vector<2x128xf32>
    %slice3A = vector.extract_strided_slice %get3A_1 {offsets = [0, 0], sizes = [1, 128], strides = [1, 1]} : vector<2x128xf32> to vector<1x128xf32>
    %mul3A = arith.constant 2.500000e-05 : f32
    %mul3A_2 = vector.broadcast %mul3A : f32 to vector<1x128xf32>
    %mul3A_3 = arith.mulf %slice3A, %mul3A_2 : vector<1x128xf32>
    %slice3A_4 = vector.extract_strided_slice %get3A_1 {offsets = [1, 0], sizes = [1, 128], strides = [1, 1]} : vector<2x128xf32> to vector<1x128xf32>
    %mul3A_5 = arith.constant 2.500000e-05 : f32
    %mul3A_6 = vector.broadcast %mul3A_5 : f32 to vector<1x128xf32>
    %mul3A_7 = arith.mulf %slice3A_4, %mul3A_6 : vector<1x128xf32>
    %mul3A_8 = arith.mulf %mul3A_3, %mul3A_3 : vector<1x128xf32>
    %sub3A = arith.subf %mul3A_7, %mul3A_8 : vector<1x128xf32>
    %get3A_9 = arith.constant 0 : index
    %get3A_10 = arith.constant 0 : index
    %get3A_11 = vector.load %arg3[%get3A_9, %get3A_10] : memref<1x128xf32, #tpu.memory_space<vmem>>, vector<1x128xf32>
    %add3A = arith.constant 9.99999974E-6 : f32
    %add3A_12 = vector.broadcast %add3A : f32 to vector<1x128xf32>
    %add3A_13 = arith.addf %sub3A, %add3A_12 : vector<1x128xf32>
    %rsqrt3A = math.rsqrt %add3A_13 : vector<1x128xf32>
    %mul3A_14 = arith.mulf %get3A_11, %rsqrt3A : vector<1x128xf32>
    %get3A_15 = arith.constant 0 : index
    %get3A_16 = arith.constant 0 : index
    %get3A_17 = vector.load %arg4[%get3A_15, %get3A_16] : memref<1x128xf32, #tpu.memory_space<vmem>>, vector<1x128xf32>
    %mul3A_18 = arith.mulf %mul3A_3, %mul3A_14 : vector<1x128xf32>
    %sub3A_19 = arith.subf %get3A_17, %mul3A_18 : vector<1x128xf32>
    %get3A_20 = arith.constant 0 : index
    %get3A_21 = arith.constant 0 : index
    %get3A_22 = vector.load %arg1[%get3A_20, %get3A_21] : memref<1000x128xf32, #tpu.memory_space<vmem>>, vector<1000x128xf32>
    %mul3A_23 = vector.broadcast %mul3A_14 : vector<1x128xf32> to vector<1000x128xf32>
    %mul3A_24 = arith.mulf %get3A_22, %mul3A_23 : vector<1000x128xf32>
    %add3A_25 = vector.broadcast %sub3A_19 : vector<1x128xf32> to vector<1000x128xf32>
    %add3A_26 = arith.addf %mul3A_24, %add3A_25 : vector<1000x128xf32>
    %max3A = arith.constant 0.000000e+00 : f32
    %max3A_27 = vector.broadcast %max3A : f32 to vector<1000x128xf32>
    %max3A_28 = arith.maximumf %add3A_26, %max3A_27 : vector<1000x128xf32>
    %swap3A = arith.constant 0 : index
    %swap3A_29 = arith.constant 0 : index
    %swap3A_30 = vector.load %arg5[%swap3A, %swap3A_29] : memref<1000x128xf32, #tpu.memory_space<vmem>>, vector<1000x128xf32>
    tpu.vector_store %arg5[%swap3A, %swap3A_29], %max3A_28 {strides = array<i32>} : memref<1000x128xf32, #tpu.memory_space<vmem>>, vector<1000x128xf32>,
    return
  }
  func.func @transform_0(%arg0: i32) -> (i32, i32) {
    %c0_i32 = arith.constant 0 : i32
    %c0_i32_0 = arith.constant 0 : i32
    return %arg0, %c0_i32 : i32, i32
  }
  func.func @transform_1(%arg0: i32) -> (i32, i32) {
    %c0_i32 = arith.constant 0 : i32
    %c0_i32_0 = arith.constant 0 : i32
    %c0_i32_1 = arith.constant 0 : i32
    return %c0_i32, %c0_i32_0 : i32, i32
  }
  func.func @transform_2(%arg0: i32) -> (i32, i32) {
    %c0_i32 = arith.constant 0 : i32
    %c0_i32_0 = arith.constant 0 : i32
    %c0_i32_1 = arith.constant 0 : i32
    return %c0_i32, %c0_i32_0 : i32, i32
  }
  func.func @transform_3(%arg0: i32) -> (i32, i32) {
    %c0_i32 = arith.constant 0 : i32
    %c0_i32_0 = arith.constant 0 : i32
    %c0_i32_1 = arith.constant 0 : i32
    return %c0_i32, %c0_i32_0 : i32, i32
  }
  func.func @transform_4(%arg0: i32) -> (i32, i32) {
    %c0_i32 = arith.constant 0 : i32
    %c0_i32_0 = arith.constant 0 : i32
    return %arg0, %c0_i32 : i32, i32
  }
}

</mosaic_0001>

<sc_bundles>
// kernel: kernel.7.cloned.1.call-start
scs
__scs_entry_jumppad:
0x0: {  	(pc) =	sbr.rel $0x88, $3  }
0x1: {  	(tag) =	ssettag $0x0;
	lr =	simm.s32 $0x1  }
0x2: {  	[smem:$0x3F99] =	sst lr;
	_ =	strace $0xD0000000  }
0x3: {  	_ = 	snop  }
0x4: {  	_ = 	snop  }
0x5: {  	_ = 	snop  }
0x6: {  	_ = 	snop  }
0x7: {  	_ = 	snop  }
__scs_overlays_trampoline_lowered:
0x8: {  	[smem:$0x3FA8] =	sst s0  }
0x9: {  	[smem:$0x3FA9] =	sst s1  }
0xa: {  	[smem:$0x3FAA] =	sst s2  }
0xb: {  	[smem:$0x3FAB] =	sst s3  }
0xc: {  	[smem:$0x3FAC] =	sst s4  }
0xd: {  	[smem:$0x3FAD] =	sst s5  }
0xe: {  	[smem:$0x3FAE] =	sst s6  }
0xf: {  	[smem:$0x3FAF] =	sst s7  }
0x10: {  	[smem:$0x3FB0] =	sst s8  }
0x11: {  	[smem:$0x3FB1] =	sst s9;
	s0 =	simm.s32 @!p0 $0x0  }
0x12: {  	s1 =	sld [smem:$0x3F97];
	s0 =	simm.s32 @p0 $0x1  }
0x13: {  	[smem:$0x3FB2] =	sst s0;
	s0 =	simm.s32 @!p1 $0x0  }
0x14: {  	s2 =	sld [smem:$0x3F96];
	s0 =	simm.s32 @p1 $0x1  }
0x15: {  	[smem:$0x3FB3] =	sst s0;
	s0 =	simm.s32 @!p2 $0x0  }
0x16: {  	s3 =	sld [smem:$0x3FDB];
	s0 =	simm.s32 @p2 $0x1  }
0x17: {  	s4 =	simm.s32 $0x1BF5;
	[smem:$0x3FB5] =	sst s0  }
0x18: {  	s0 =	sld [smem:$0x3F98];
	_ =	swait.ge [sflag:s4], $0x0  }
0x19: {  	s7 =	sld [smem:$0x3F99]  }
0x1a: {  	s8 =	sadd.s32 $0xFFFFE003, lr  }
0x1b: {  	s9 =	sadd.s32 $0xFFFFFEF7, lr;
	s5 =	simm.s32 $0xFFFFFFFF;
	p2 =	slt.u32 s8, $0xFFFFF086  }
0x1c: {  	p1 =	slt.u32 s9, $0xF7A;
	s5 =	simm.s32 @!p2 $0x0  }
0x1d: {  	s5 =	simm.s32 @p1 $0x1;
	p0 =	seq.s32 s7, s2  }
0x1e: {  	s7 =	smul.u32 @!p0 $0xF7A, s2;
	p2 =	seq.s32 @!p0 s5, $0x0  }
0x1f: {  	s9 =	smul.u32 $0xF7A, s1;
	s8 =	simm.s32 @!p0 $0x1BF5;
	p2 =	por !p2, p0  }
0x20: {  	[sflag:s8] =	ssyncset.s32 @!p0 $0xFFFFF086;
	s6 =	sadd.s32 @!p0 s3, s7;
	s7 =	simm.s32 @!p0 $0x108  }
0x21: {  	s3 =	sadd.s32 s3, s9;
	s6 =	sadd.s32 @!p0 $0x88, s6;
	s7 =	simm.s32 @p2 $0x1082  }
0x22: {  	[simem:s7], [sflag:s8] =	dma.local @!p0 [hbm:s6], $0xF7A  }
0x23: {  	s9 =	sor.u32 $0xD0000000, s2;
	s6 =	simm.s32 $0x108;
	_ =	swait.ge @!p0 [sflag:s8], $0x0  }
0x24: {  	s3 =	sadd.s32 $0x88, s3;
	s6 =	simm.s32 @!p1 $0x1082;
	[sflag:s4] =	ssyncset.s32 $0xFFFFF086  }
0x25: {  	[simem:s6], [sflag:s4] =	dma.local [hbm:s3], $0xF7A  }
0x26: {  	[smem:$0x3F99] =	sst s1;
	(tag) =	ssettag s2;
	_ =	strace s9  }
0x27: {  	s1 =	sld [smem:$0x3FA9]  }
0x28: {  	s2 =	sld [smem:$0x3FAA]  }
0x29: {  	s4 =	sld [smem:$0x3FAC]  }
0x2a: {  	p0 =	seq.s32 s5, $0x0;
	s5 =	sld [smem:$0x3FAD]  }
0x2b: {  	s6 =	sld [smem:$0x3FAE]  }
0x2c: {  	s7 =	sld [smem:$0x3FAF]  }
0x2d: {  	s3 =	simm.s32 $0x108;
	s8 =	sld [smem:$0x3FB0]  }
0x2e: {  	s3 =	simm.s32 @!p0 $0x1082;
	s9 =	sld [smem:$0x3FB1]  }
0x2f: {  	lr =	sadd.s32 s0, s3;
	s0 =	sld [smem:$0x3FA8]  }
0x30: {  	s3 =	sld [smem:$0x3FAB]  }
0x31: {  	[smem:$0x3FB4] =	sst s10  }
0x32: {  	s10 =	sld [smem:$0x3FB2];
	_ =	sdelay $0x3  }
0x33: {  	p0 =	seq.s32 s10, $0x1;
	s10 =	sld [smem:$0x3FB4];
	_ =	sdelay $0x3  }
0x34: {  	[smem:$0x3FB4] =	sst s10  }
0x35: {  	s10 =	sld [smem:$0x3FB3];
	_ =	sdelay $0x3  }
0x36: {  	p1 =	seq.s32 s10, $0x1;
	s10 =	sld [smem:$0x3FB4];
	_ =	sdelay $0x3  }
0x37: {  	[smem:$0x3FB4] =	sst s10  }
0x38: {  	s10 =	sld [smem:$0x3FB5]  }
0x39: {  	_ = 	snop;
	(pc) =	sbr.ind lr, $3  }
0x3a: {  	_ = 	snop  }
0x3b: {  	_ = 	snop  }
0x3c: {  	p2 =	seq.s32 s10, $0x1;
	s10 =	sld [smem:$0x3FB4]  }
0x3d: {  	_ =	shalt  }
0x3e: {  	_ =	shalt  }
0x3f: {  	_ =	shalt  }
0x40: {  	_ =	shalt  }
0x41: {  	_ =	shalt  }
0x42: {  	_ =	shalt  }
0x43: {  	_ =	shalt  }
0x44: {  	_ =	shalt  }
0x45: {  	_ =	shalt  }
0x46: {  	_ =	shalt  }
0x47: {  	_ =	shalt  }
0x48: {  	_ =	shalt  }
0x49: {  	_ =	shalt  }
0x4a: {  	_ =	shalt  }
0x4b: {  	_ =	shalt  }
0x4c: {  	_ =	shalt  }
0x4d: {  	_ =	shalt  }
0x4e: {  	_ =	shalt  }
0x4f: {  	_ =	shalt  }
0x50: {  	_ =	shalt  }
0x51: {  	_ =	shalt  }
0x52: {  	_ =	shalt  }
0x53: {  	_ =	shalt  }
0x54: {  	_ =	shalt  }
0x55: {  	_ =	shalt  }
0x56: {  	_ =	shalt  }
0x57: {  	_ =	shalt  }
0x58: {  	_ =	shalt  }
0x59: {  	_ =	shalt  }
0x5a: {  	_ =	shalt  }
0x5b: {  	_ =	shalt  }
0x5c: {  	_ =	shalt  }
0x5d: {  	_ =	shalt  }
0x5e: {  	_ =	shalt  }
0x5f: {  	_ =	shalt  }
0x60: {  	_ =	shalt  }
0x61: {  	_ =	shalt  }
0x62: {  	_ =	shalt  }
0x63: {  	_ =	shalt  }
0x64: {  	_ =	shalt  }
0x65: {  	_ =	shalt  }
0x66: {  	_ =	shalt  }
0x67: {  	_ =	shalt  }
0x68: {  	_ =	shalt  }
0x69: {  	_ =	shalt  }
0x6a: {  	_ =	shalt  }
0x6b: {  	_ =	shalt  }
0x6c: {  	_ =	shalt  }
0x6d: {  	_ =	shalt  }
0x6e: {  	_ =	shalt  }
0x6f: {  	_ =	shalt  }
0x70: {  	_ =	shalt  }
0x71: {  	_ =	shalt  }
0x72: {  	_ =	shalt  }
0x73: {  	_ =	shalt  }
0x74: {  	_ =	shalt  }
0x75: {  	_ =	shalt  }
0x76: {  	_ =	shalt  }
0x77: {  	_ =	shalt  }
0x78: {  	_ =	shalt  }
0x79: {  	_ =	shalt  }
0x7a: {  	_ =	shalt  }
0x7b: {  	_ =	shalt  }
0x7c: {  	_ =	shalt  }
0x7d: {  	_ =	shalt  }
0x7e: {  	_ =	shalt  }
0x7f: {  	_ =	shalt  }
0x80: {  	_ =	shalt  }
0x81: {  	_ =	shalt  }
0x82: {  	_ =	shalt  }
0x83: {  	_ =	shalt  }
0x84: {  	_ =	shalt  }
0x85: {  	_ =	shalt  }
0x86: {  	_ =	shalt  }
0x87: {  	_ =	shalt  }
.Lfunc_end0:
.L_simem_size_0:
called_computation_lowered:
.L_overlay_start_0:
0x88: {  	s2 =	sld [smem:$0x3FD9]  }
0x89: {  	s3 =	sld [smem:$0x3FFE];
	_ =	sdelay $0x1  }
0x8a: {  	s1 =	srdreg.scid  }
0x8b: {  	s0 =	sand.u32 $0x1, s1  }
0x8c: {  	s17 =	sshll.u32 s0, $0xA;
	s2 =	sadd.s32 s3, s2  }
0x8d: {  	s2 =	sadd.s32 s2, s17  }
0x8e: {  	[smem:$0x3FC0] =	sst s2  }
0x8f: {  	_ = 	snop  }
0x90: {  	s2 =	sld [smem:$0x3FD0];
	(tm) =	ssettm $0x1  }
0x91: {  	s18 =	sld [smem:$0x3FFB];
	_ =	sdelay $0x3  }
0x92: {  	_ =	strace s18  }
0x93: {  	s3 =	sld [smem:$0x3FFC];
	_ =	sdelay $0x3  }
0x94: {  	_ =	strace s3  }
0x95: {  	s3 =	sld [smem:$0x3FFD];
	_ =	sdelay $0x3  }
0x96: {  	_ =	strace s3  }
0x97: {  	_ =	strace $0x8FFFFFFF  }
0x98: {  	s19 =	sld [smem:$0x3FDB];
	_ =	sdelay $0x1  }
0x99: {  	s4 =	simm.s32 $_scs_section_size  }
0x9a: {  	s5 =	simm.s32 $_size__tile_overlayer_lowered;
	s6 =	simm.s32 $_tile_overlayer_lowered  }
0x9b: {  	s22 =	simm.s32 $0x1BFF;
	s21 =	sshll.u32 s6, $0x1;
	s3 =	sadd.s32 s4, s19  }
0x9c: {  	s7 =	simm.s32 $0x0;
	s20 =	sshll.u32 s5, $0x1;
	s5 =	sadd.s32 s21, s3  }
0x9d: {  	[timem:s7], [sflag:s22] =	dma.local [hbm:s5], s20  }
0x9e: {  	_ =	swait.ge [sflag:s22], s20  }
0x9f: {  	s4 =	ssub.s32 $0x0, s20;
	[sflag:s22] =	ssyncset.done $0x0  }
0xa0: {  	[sflag:s22] =	ssyncadd.s32 s4;
	_ =	sdelay $0x1  }
0xa1: {  	s23 =	simm.s32 $0x1B8B  }
0xa2: {  	_ =	swait.ge [sflag:s23], $0x1  }
0xa3: {  	[sflag:s23] =	ssyncset.done $0x0  }
0xa4: {  	s25 =	simm.s32 $0x1B8E;
	s24 =	sld [smem:$0x3FFE];
	[sflag:s23] =	ssyncadd.s32 $0xFFFFFFFF  }
0xa5: {  	s26 =	simm.s32 $execute0_lowered;
	[smem:$0x3FD2] =	sst s25  }
0xa6: {  	s5 =	sshll.u32 s26, $0x1;
	_ =	strace $0x80000046;
	[dreg:$0x1] =	wrdreg $0xFFFFFFFF  }
0xa7: {  	s28 =	simm.s32 $_size_execute0_lowered;
	s3 =	sadd.s32 s3, s5;
	[dreg:$0x0] =	wrdreg $0x0  }
0xa8: {  	s5 =	sshll.u32 s28, $0x1;
	[dreg:$0x2] =	wrdreg s3  }
0xa9: {  	[dreg:$0x3] =	wrdreg s5  }
0xaa: {  	[dreg:$0x4] =	wrdreg $0xC0  }
0xab: {  	_ =	task [dreg:s7], $0x5FFFF  }
0xac: {  	[dreg:$0x1] =	wrdreg $0xFFFFFFFF  }
0xad: {  	[dreg:$0x0] =	wrdreg $0x60  }
0xae: {  	[dreg:$0x2] =	wrdreg s2  }
0xaf: {  	[dreg:$0x3] =	wrdreg s24  }
0xb0: {  	[dreg:$0x4] =	wrdreg $0x9  }
0xb1: {  	_ =	task.clear_ibuf [dreg:s7], $0x5FFFF;
	_ =	strace $0x90000046  }
0xb2: {  	s29 =	simm.s32 $0x9;
	_ =	strace $0x80000048  }
0xb3: {  	_ =	swait.ge [sflag:s29], $0x1  }
0xb4: {  	[sflag:s29] =	ssyncadd.s32 $0xFFFFFFFF  }
0xb5: {  	_ =	strace $0x90000048  }
0xb6: {  	_ =	sfence  }
0xb7: {  	s30 =	sld [smem:$0x0];
	_ =	sdelay $0x2  }
0xb8: {  	s31 =	sshll.u32 s1, $0xD;
	s1 =	sshrl.u32 s1, $0x2  }
0xb9: {  	s3 =	sand.u32 $0x4000, s31;
	s1 =	sadd.s32 s1, s30  }
0xba: {  	s0 =	sor.u32 s3, s0;
	s1 =	sshll.u32 s1, $0x11  }
0xbb: {  	s0 =	sor.u32 s1, s0  }
0xbc: {  	s0 =	sadd.s32 $0x8F2B, s0  }
0xbd: {  	[sflag:s0] =	ssyncadd.remote.s32 $0x1  }
0xbe: {  	_ =	sfence.sel $0xFFFF  }
0xbf: {  	[dreg:$0x0] =	wrdreg $0xFFFFFFFF;
	(pc) =	sbr.abs _section_cstart, $3  }
0xc0: {  	[dreg:$0x1] =	wrdreg $0xFFFFFFFF  }
0xc1: {  	_ =	task.clear_ibuf [dreg:s7], $0x2FFFF;
	_ =	strace $0x9FFFFFFF  }
0xc2: {  	(tm) =	ssettm $0x7FFFFFFF  }
0xc3: {  	_ =	shalt  }
tec
execute0_lowered:
.L_overlay_start_1:
0x0: {  	(tag) =	ssettag $0x1  }
0x1: {  	s0 =	rddreg [dreg:$0x0]  }
0x2: {  	s4 =	rddreg [dreg:$0x1]  }
0x3: {  	s3 =	srdreg.scid;
	s1 =	stileid.u32  }
0x4: {  	s2 =	simm.s32 $0x0;
	s14 =	simm.s32 $0x1400;
	s15 =	simm.s32 $0x5400  }
0x5: {  	s17 =	simm.s32 $0x9400;
	s18 =	simm.s32 $0x180;
	s23 =	smul.u32 $0x140000, s1  }
0x6: {  	s28 =	simm.s32 $0x8;
	s9 =	sand.u32 $0x1, s3;
	s30 =	smul.u32 $0x28000, s1  }
0x7: {  	s29 =	simm.s32 $0x0;
	s19 =	sshll.u32 s1, $0x1;
	s12 =	smul.u32 $0xA0000, s9  }
0x8: {  	s3 =	sadd.s32 $0x215200, s4;
	s5 =	sor.u32 s9, s19;
	s13 =	smul.u32 $0x14000, s9  }
0x9: {  	[smem:$0x7FF] =	sst s2;
	s11 =	sadd.s32 $0x63D200, s4;
	s6 =	smul.u32 $0x280, s5  }
0xa: {  	_ =	strace $0x80000047;
	s7 =	ssub.s32 $0x2, s9;
	s8 =	smul.u32 $0xA0000, s5  }
0xb: {  	s19 =	simm.s32 $0xD400;
	s20 =	sshrl.u32 s7, $0x1;
	s10 =	smul.u32 $0x14000, s5  }
0xc: {  	s31 =	sadd.s32 s30, s11;
	s21 =	ssub.s32 s7, s20;
	s26 =	sadd.s32 s12, s23  }
0xd: {  	s12 =	simm.s32 $0x9;
	s20 =	simm.s32 $0x1;
	s23 =	simm.s32 $0x4  }
0xe: {  	s22 =	sshrl.u32 s8, $0x3;
	s4 =	sadd.s32 s0, s6;
	s5 =	smax.u32 s21, $0x1  }
0xf: {  	s25 =	sadd.s32 s11, s10;
	s10 =	sshrl.u32 s26, $0x3;
	s21 =	simm.s32 $0x2  }
0x10: {  	s26 =	simm.s32 $0x7;
	s24 =	sadd.s32 s11, s22;
	s7 =	sadd.s32 $0x12800, s25  }
0x11: {  	s8 =	sadd.s32 $0x13000, s25;
	s9 =	sadd.s32 $0x13800, s25;
	s10 =	sadd.s32 s10, s11  }
0x12: {  	s11 =	sadd.s32 s13, s31;
	s13 =	simm.s32 $0x80;
	s22 =	simm.s32 $0x3  }
0x13: {  	s25 =	simm.s32 $0x6;
	s6 =	sadd.s32 $0x12000, s24;
	s24 =	simm.s32 $0x5  }
.LBB2_1:
0x14: {  	[tilespmem:s2], [sflag:$0x9] =	stream.linear.gather [hbm4b:s4+s2], $0x1400, $0x38;
	[tilespmem:$0x11400] =	vst v63  }
0x15: {  	_ =	swait.ge [sflag:s12], $0x1400  }
0x16: {  	[sflag:s12] =	ssyncset.done $0x0  }
0x17: {  	[sflag:s12] =	ssyncadd.s32 $0xFFFFEC00  }
0x18: {  	[tilespmem:s14], [sflag:$0x1] =	stream.indirect.gather [hbm4b:s3+s13], $0x80, s2, s13, $0xb8;
	[tilespmem:$0x11400] =	vst v63  }
0x19: {  	_ = 	snop  }
0x1a: {  	[tilespmem:s15], [sflag:$0x2] =	stream.indirect.gather [hbm4b:s3+s13], $0x80, s13, s13, $0xb8;
	[tilespmem:$0x11400] =	vst v63  }
0x1b: {  	s0 =	simm.s32 $0x100  }
0x1c: {  	[tilespmem:s17], [sflag:$0x3] =	stream.indirect.gather [hbm4b:s3+s13], $0x80, s0, s13, $0xb8;
	[tilespmem:$0x11400] =	vst v63  }
0x1d: {  	_ = 	snop  }
0x1e: {  	[tilespmem:s19], [sflag:$0x4] =	stream.indirect.gather [hbm4b:s3+s13], $0x80, s18, s13, $0xb8;
	[tilespmem:$0x11400] =	vst v63  }
0x1f: {  	_ =	swait.ge [sflag:s20], $0x4000  }
0x20: {  	[sflag:s20] =	ssyncset.done $0x0  }
0x21: {  	s16 =	sadd.s32 $0x0, s10;
	[sflag:s20] =	ssyncadd.s32 $0xFFFFC000  }
0x22: {  	[hbm4b:s16+s2] =	stream.linear.scatter [tilespmem:s14], [sflag:$0x5], $0x4000, $0x38;
	[tilespmem:$0x11400] =	vst v63  }
0x23: {  	_ =	swait.ge [sflag:s21], $0x4000  }
0x24: {  	s1 =	sadd.s32 $0x0, s11;
	[sflag:s21] =	ssyncset.done $0x0  }
0x25: {  	s30 =	sadd.s32 $0x800, s1;
	[sflag:s21] =	ssyncadd.s32 $0xFFFFC000  }
0x26: {  	[hbm4b:s30+s2] =	stream.linear.scatter [tilespmem:s15], [sflag:$0x6], $0x4000, $0x38;
	[tilespmem:$0x11400] =	vst v63  }
0x27: {  	_ =	swait.ge [sflag:s22], $0x4000  }
0x28: {  	[sflag:s22] =	ssyncset.done $0x0  }
0x29: {  	s30 =	sadd.s32 $0x1000, s1;
	[sflag:s22] =	ssyncadd.s32 $0xFFFFC000  }
0x2a: {  	[hbm4b:s30+s2] =	stream.linear.scatter [tilespmem:s17], [sflag:$0x7], $0x4000, $0x38;
	[tilespmem:$0x11400] =	vst v63  }
0x2b: {  	_ =	swait.ge [sflag:s23], $0x4000  }
0x2c: {  	[sflag:s23] =	ssyncset.done $0x0  }
0x2d: {  	s0 =	sadd.s32 $0x1800, s1;
	[sflag:s23] =	ssyncadd.s32 $0xFFFFC000  }
0x2e: {  	[hbm4b:s0+s2] =	stream.linear.scatter [tilespmem:s19], [sflag:$0x8], $0x4000, $0x38;
	[tilespmem:$0x11400] =	vst v63  }
0x2f: {  	_ =	swait.ge [sflag:s24], $0x4000  }
0x30: {  	[sflag:s24] =	ssyncset.done $0x0  }
0x31: {  	s16 =	simm.s32 $0x200;
	[sflag:s24] =	ssyncadd.s32 $0xFFFFC000  }
0x32: {  	[tilespmem:s14], [sflag:$0x1] =	stream.indirect.gather [hbm4b:s3+s13], $0x80, s16, s13, $0xb8;
	[tilespmem:$0x11400] =	vst v63  }
0x33: {  	_ =	swait.ge [sflag:s25], $0x4000  }
0x34: {  	[sflag:s25] =	ssyncset.done $0x0  }
0x35: {  	s1 =	simm.s32 $0x280;
	[sflag:s25] =	ssyncadd.s32 $0xFFFFC000  }
0x36: {  	[tilespmem:s15], [sflag:$0x2] =	stream.indirect.gather [hbm4b:s3+s13], $0x80, s1, s13, $0xb8;
	[tilespmem:$0x11400] =	vst v63  }
0x37: {  	_ =	swait.ge [sflag:s26], $0x4000  }
0x38: {  	[sflag:s26] =	ssyncset.done $0x0  }
0x39: {  	s16 =	simm.s32 $0x300;
	[sflag:s26] =	ssyncadd.s32 $0xFFFFC000  }
0x3a: {  	[tilespmem:s17], [sflag:$0x3] =	stream.indirect.gather [hbm4b:s3+s13], $0x80, s16, s13, $0xb8;
	[tilespmem:$0x11400] =	vst v63  }
0x3b: {  	_ =	swait.ge [sflag:s28], $0x4000  }
0x3c: {  	s31 =	simm.s32 $0x2000;
	[sflag:s28] =	ssyncset.done $0x0  }
0x3d: {  	s30 =	simm.s32 $0x380;
	s0 =	simm.s32 $0x580;
	[sflag:s28] =	ssyncadd.s32 $0xFFFFC000  }
.LBB2_2:
0x3e: {  	[tilespmem:s19], [sflag:$0x4] =	stream.indirect.gather [hbm4b:s3+s13], $0x80, s30, s13, $0xb8;
	[tilespmem:$0x11400] =	vst v63  }
0x3f: {  	s1 =	smov.u32 s31;
	s30 =	smov.u32 s0  }
0x40: {  	p0 =	sne.s32 s31, $0x10000;
	s31 =	sadd.s32 $0x2000, s31;
	_ =	swait.ge [sflag:s20], $0x4000  }
0x41: {  	[sflag:s20] =	ssyncset.done $0x0  }
0x42: {  	s16 =	sadd.s32 s1, s10;
	[sflag:s20] =	ssyncadd.s32 $0xFFFFC000  }
0x43: {  	[hbm4b:s16+s2] =	stream.linear.scatter [tilespmem:s14], [sflag:$0x5], $0x4000, $0x38;
	[tilespmem:$0x11400] =	vst v63  }
0x44: {  	_ =	swait.ge [sflag:s21], $0x4000  }
0x45: {  	s1 =	sadd.s32 s1, s11;
	[sflag:s21] =	ssyncset.done $0x0  }
0x46: {  	s16 =	sadd.s32 $0x800, s1;
	[sflag:s21] =	ssyncadd.s32 $0xFFFFC000  }
0x47: {  	[hbm4b:s16+s2] =	stream.linear.scatter [tilespmem:s15], [sflag:$0x6], $0x4000, $0x38;
	[tilespmem:$0x11400] =	vst v63  }
0x48: {  	_ =	swait.ge [sflag:s22], $0x4000  }
0x49: {  	[sflag:s22] =	ssyncset.done $0x0  }
0x4a: {  	s16 =	sadd.s32 $0x1000, s1;
	[sflag:s22] =	ssyncadd.s32 $0xFFFFC000  }
0x4b: {  	[hbm4b:s16+s2] =	stream.linear.scatter [tilespmem:s17], [sflag:$0x7], $0x4000, $0x38;
	[tilespmem:$0x11400] =	vst v63  }
0x4c: {  	_ =	swait.ge [sflag:s23], $0x4000  }
0x4d: {  	[sflag:s23] =	ssyncset.done $0x0  }
0x4e: {  	s1 =	sadd.s32 $0x1800, s1;
	[sflag:s23] =	ssyncadd.s32 $0xFFFFC000  }
0x4f: {  	[hbm4b:s1+s2] =	stream.linear.scatter [tilespmem:s19], [sflag:$0x8], $0x4000, $0x38;
	[tilespmem:$0x11400] =	vst v63  }
0x50: {  	_ =	swait.ge [sflag:s24], $0x4000  }
0x51: {  	[sflag:s24] =	ssyncset.done $0x0  }
0x52: {  	s1 =	sadd.s32 $0xFFFFFE80, s0;
	[sflag:s24] =	ssyncadd.s32 $0xFFFFC000  }
0x53: {  	[tilespmem:s14], [sflag:$0x1] =	stream.indirect.gather [hbm4b:s3+s13], $0x80, s1, s13, $0xb8;
	[tilespmem:$0x11400] =	vst v63  }
0x54: {  	_ =	swait.ge [sflag:s25], $0x4000  }
0x55: {  	[sflag:s25] =	ssyncset.done $0x0  }
0x56: {  	s1 =	sadd.s32 $0xFFFFFF00, s0;
	[sflag:s25] =	ssyncadd.s32 $0xFFFFC000  }
0x57: {  	[tilespmem:s15], [sflag:$0x2] =	stream.indirect.gather [hbm4b:s3+s13], $0x80, s1, s13, $0xb8;
	[tilespmem:$0x11400] =	vst v63  }
0x58: {  	_ =	swait.ge [sflag:s26], $0x4000  }
0x59: {  	[sflag:s26] =	ssyncset.done $0x0  }
.Ltmp0:
0x5a: {  	s1 =	sadd.s32 $0xFFFFFF80, s0;
	[sflag:s26] =	ssyncadd.s32 $0xFFFFC000;
	(pc) =	sbr.rel @p0 .LBB2_2-.Ltmp0, $4  }
0x5b: {  	[tilespmem:s17], [sflag:$0x3] =	stream.indirect.gather [hbm4b:s3+s13], $0x80, s1, s13, $0xb8;
	[tilespmem:$0x11400] =	vst v63  }
0x5c: {  	_ =	swait.ge [sflag:s28], $0x4000  }
0x5d: {  	[sflag:s28] =	ssyncset.done $0x0  }
0x5e: {  	s0 =	sadd.s32 $0x200, s0;
	[sflag:s28] =	ssyncadd.s32 $0xFFFFC000  }
0x5f: {  	[tilespmem:s19], [sflag:$0x4] =	stream.indirect.gather [hbm4b:s3+s13], $0x80, s30, s13, $0xb8;
	[tilespmem:$0x11400] =	vst v63  }
0x60: {  	_ =	swait.ge [sflag:s20], $0x4000  }
0x61: {  	[sflag:s20] =	ssyncset.done $0x0  }
0x62: {  	[sflag:s20] =	ssyncadd.s32 $0xFFFFC000  }
0x63: {  	[hbm4b:s6+s2] =	stream.linear.scatter [tilespmem:s14], [sflag:$0x5], $0x4000, $0x38;
	[tilespmem:$0x11400] =	vst v63  }
0x64: {  	_ =	swait.ge [sflag:s21], $0x4000  }
0x65: {  	[sflag:s21] =	ssyncset.done $0x0  }
0x66: {  	[sflag:s21] =	ssyncadd.s32 $0xFFFFC000  }
0x67: {  	[hbm4b:s7+s2] =	stream.linear.scatter [tilespmem:s15], [sflag:$0x6], $0x4000, $0x38;
	[tilespmem:$0x11400] =	vst v63  }
0x68: {  	_ =	swait.ge [sflag:s22], $0x4000  }
0x69: {  	[sflag:s22] =	ssyncset.done $0x0  }
0x6a: {  	[sflag:s22] =	ssyncadd.s32 $0xFFFFC000  }
0x6b: {  	[hbm4b:s8+s2] =	stream.linear.scatter [tilespmem:s17], [sflag:$0x7], $0x4000, $0x38;
	[tilespmem:$0x11400] =	vst v63  }
0x6c: {  	_ =	swait.ge [sflag:s23], $0x4000  }
0x6d: {  	[sflag:s23] =	ssyncset.done $0x0  }
0x6e: {  	[sflag:s23] =	ssyncadd.s32 $0xFFFFC000  }
0x6f: {  	[hbm4b:s9+s2] =	stream.linear.scatter [tilespmem:s19], [sflag:$0x8], $0x4000, $0x38;
	[tilespmem:$0x11400] =	vst v63  }
0x70: {  	_ =	swait.ge [sflag:s24], $0x4000  }
0x71: {  	[sflag:s24] =	ssyncset.done $0x0  }
0x72: {  	[sflag:s24] =	ssyncadd.s32 $0xFFFFC000  }
0x73: {  	_ =	swait.ge [sflag:s25], $0x4000  }
0x74: {  	[sflag:s25] =	ssyncset.done $0x0  }
0x75: {  	s29 =	sadd.s32 $0x1, s29;
	[sflag:s25] =	ssyncadd.s32 $0xFFFFC000  }
0x76: {  	p0 =	sne.s32 s29, s5;
	_ =	swait.ge [sflag:s26], $0x4000  }
.Ltmp1:
0x77: {  	[sflag:s26] =	ssyncset.done $0x0;
	(pc) =	sbr.rel @p0 .LBB2_1-.Ltmp1, $4  }
0x78: {  	[sflag:s26] =	ssyncadd.s32 $0xFFFFC000  }
0x79: {  	_ =	swait.ge [sflag:s28], $0x4000  }
0x7a: {  	[sflag:s28] =	ssyncset.done $0x0  }
0x7b: {  	[sflag:s28] =	ssyncadd.s32 $0xFFFFC000  }
0x7c: {  	_ =	sfence.sel $0x180000  }
0x7d: {  	[bflag:$0x0] =	sbarrier.arrive $0xFFFF  }
0x7e: {  	_ =	strace $0x90000047  }
0x7f: {  	s0 =	stileid.u32;
	[bflag:$0x2] =	sbarrier.arrive $0xFFFF  }
0x80: {  	p0 =	sne.s32 s0, $0x0;
	s0 =	rddreg [dreg:$0x2]  }
0x81: {  	s0 =	sadd.s32 @!p0 $0x100000, s0  }
0x82: {  	[sflag:s0] =	ssyncadd.tile.s32 @!p0 $0x1;
	_ =	shalt  }
.Lfunc_end2:
_tile_overlayer_lowered:
.L_overlay_start_2:
0x83: {  	(tag) =	ssettag $0x2  }
0x84: {  	s0 =	rddreg [dreg:$0x0];
	s2 =	stileid.u32  }
0x85: {  	s1 =	rddreg [dreg:$0x1];
	p0 =	sne.s32 s2, $0x0  }
0x86: {  	s3 =	rddreg [dreg:$0x2];
	[bflag:$0x3] =	sbarrier.arrive $0xFFFF;
	s2 =	simm.s32 @!p0 $0x1C09  }
0x87: {  	[timem:s3], [sflag:s2] =	dma.local @!p0 [hbm:s0], s1  }
0x88: {  	s0 =	simm.s32 @!p0 $0x9  }
0x89: {  	_ =	swait.ge @!p0 [sflag:s0], s1  }
0x8a: {  	s1 =	ssub.s32 @!p0 $0x0, s1;
	[sflag:s0] =	ssyncset.done @!p0 $0x0  }
0x8b: {  	[sflag:s0] =	ssyncadd.s32 @!p0 s1  }
0x8c: {  	[bflag:$0x3] =	sbarrier.arrive $0xFFFF  }
0x8d: {  	_ =	shalt  }

</sc_bundles>
